<compile_context>
chip_gen: v7x
topology: tpu7x:2x2x1
jax: 0.10.2.dev20260603
libtpu: 0.0.44.dev20260713+nightly
codegen_flags: <defaults>
</compile_context>

<pallas_src>
import functools

import jax
import jax.numpy as jnp
from jax import lax
from jax.experimental import pallas as pl
from jax.experimental.pallas import tpu as pltpu
from jax.experimental.pallas import tpu_sc as plsc

_T = 2048
_D = 768
_E = 64
_F = 64
_PT = 256
_ST = 128
_NW = 32
_CHUNK = _T // _NW

_DN_T = (((1,), (1,)), ((), ()))



def _plan_kernel(x_ref, rb_ref, routert_ref, dst_ref, bounds_ref, src_ref,
                 dst_smem, sem):
    x = x_ref[...]
    logits = jax.lax.dot_general(x - rb_ref[...], routert_ref[...], _DN_T,
                                 preferred_element_type=jnp.float32)
    idx = jnp.argmax(logits, axis=-1)

    onehot = (jax.lax.broadcasted_iota(jnp.int32, (_T, _E), 1)
              == idx[:, None]).astype(jnp.float32)

    tri = (jax.lax.broadcasted_iota(jnp.int32, (_PT, _PT), 0)
           > jax.lax.broadcasted_iota(jnp.int32, (_PT, _PT), 1)
           ).astype(jnp.float32)
    ones_row = jnp.ones((1, _PT), dtype=jnp.float32)

    counts = jnp.zeros((1, _E), jnp.float32)
    rank_tiles = []
    for i in range(_T // _PT):
        blk = onehot[i * _PT:(i + 1) * _PT, :]
        rank_tiles.append(
            jnp.dot(tri, blk, preferred_element_type=jnp.float32) + counts)
        counts = counts + jnp.dot(ones_row, blk,
                                  preferred_element_type=jnp.float32)
    rank_all = jnp.concatenate(rank_tiles, axis=0)
    rank = jnp.sum(rank_all * onehot, axis=-1, keepdims=True)

    lt = (jax.lax.broadcasted_iota(jnp.int32, (_E, _E), 0)
          < jax.lax.broadcasted_iota(jnp.int32, (_E, _E), 1)).astype(jnp.float32)
    offsets = jnp.dot(counts, lt, preferred_element_type=jnp.float32)
    off_tok = jnp.sum(onehot * offsets, axis=-1, keepdims=True)

    cum_incl = offsets + counts
    cum_col = jnp.transpose(cum_incl, (1, 0))
    nt = _T // _ST
    slot_lo = (jax.lax.broadcasted_iota(jnp.int32, (1, nt), 1)
               * _ST).astype(jnp.float32)
    tile_lo = jnp.sum((cum_col <= slot_lo).astype(jnp.int32), axis=0,
                      keepdims=True)
    tile_hi = jnp.sum((cum_col <= slot_lo + float(_ST - 1)).astype(jnp.int32),
                      axis=0, keepdims=True)

    dst_ref[...] = (rank + off_tok).astype(jnp.int32).reshape(_T)
    bounds_ref[...] = jnp.concatenate(
        [offsets.astype(jnp.int32),
         jnp.full((1, 1), _T, jnp.int32),
         jnp.zeros((1, 127 - _E - 2 * nt), jnp.int32),
         tile_lo, tile_hi], axis=1).reshape(128)

    pltpu.make_async_copy(dst_ref, dst_smem, sem).start()
    pltpu.make_async_copy(dst_ref, dst_smem, sem).wait()

    def body(t, carry):
        src_ref[dst_smem[t]] = t
        return carry

    jax.lax.fori_loop(0, _T, body, 0, unroll=8)


def _plan(activations, router_b, router_t):
    return pl.pallas_call(
        _plan_kernel,
        in_specs=[
            pl.BlockSpec((_T, _D), lambda: (0, 0)),
            pl.BlockSpec((1, _D), lambda: (0, 0)),
            pl.BlockSpec((_E, _D), lambda: (0, 0)),
        ],
        out_specs=[
            pl.BlockSpec((_T,), lambda: (0,)),
            pl.BlockSpec((128,), lambda: (0,)),
            pl.BlockSpec(memory_space=pltpu.SMEM),
        ],
        out_shape=[
            jax.ShapeDtypeStruct((_T,), jnp.int32),
            jax.ShapeDtypeStruct((128,), jnp.int32),
            jax.ShapeDtypeStruct((_T,), jnp.int32),
        ],
        scratch_shapes=[
            pltpu.SMEM((_T,), jnp.int32),
            pltpu.SemaphoreType.DMA,
        ],
    )(activations, router_b.reshape(1, _D), router_t)



def _sc_gather_body(x_hbm, src_hbm, xs_hbm, src_v, rows_v, sem):
    wid = lax.axis_index("s") * 2 + lax.axis_index("c")
    base = wid * _CHUNK
    pltpu.sync_copy(src_hbm.at[pl.ds(base, _CHUNK)], src_v)
    pltpu.async_copy(x_hbm.at[src_v], rows_v, sem).wait()
    pltpu.sync_copy(rows_v, xs_hbm.at[pl.ds(base, _CHUNK)])


def _sc_gather(x, src):
    mesh = plsc.VectorSubcoreMesh(core_axis_name="c", subcore_axis_name="s")
    f = functools.partial(
        pl.kernel, mesh=mesh,
        out_type=jax.ShapeDtypeStruct((_T, _D), jnp.float32),
        scratch_types=[
            pltpu.VMEM((_CHUNK,), jnp.int32),
            pltpu.VMEM((_CHUNK, _D), jnp.float32),
            pltpu.SemaphoreType.DMA,
        ],
    )(_sc_gather_body)
    return f(x, src)



_SLOTS = 6


def _seg_kernel(bounds_smem, xs_ref, bpre_ref, rb_ref, routert_ref, enct_ref,
                dec_ref, out_ref):
    g = pl.program_id(0)
    nt = _T // _ST
    xs = xs_ref[...]
    a_full = xs - bpre_ref[...]

    logits = jax.lax.dot_general(xs - rb_ref[...], routert_ref[...], _DN_T,
                                 preferred_element_type=jnp.float32)
    m = jnp.max(logits, axis=-1, keepdims=True)
    ps_col = 1.0 / jnp.sum(jnp.exp(logits - m), axis=-1, keepdims=True)

    for k in range(2):
        t = g * 2 + k
        e_lo = bounds_smem[128 - 2 * nt + t]
        e_hi = bounds_smem[128 - nt + t]
        a = a_full[k * _ST:(k + 1) * _ST, :]
        grow = jax.lax.broadcasted_iota(jnp.int32, (_ST, 1), 0) + t * _ST

        def enc_mm(e):
            return jax.lax.dot_general(a, enct_ref[e], _DN_T,
                                       preferred_element_type=jnp.float32)

        def mask_dec(e, lat, acc, valid):
            lat = jnp.maximum(lat, 0.0)
            seg_mask = (grow >= bounds_smem[e]) & (grow < bounds_smem[e + 1])
            lat = jnp.where(seg_mask & valid, lat, 0.0)
            return acc + jnp.dot(lat, dec_ref[e],
                                 preferred_element_type=jnp.float32)

        es = [jnp.minimum(e_lo + i, _E - 1) for i in range(_SLOTS)]
        lats = [enc_mm(es[i]) for i in range(_SLOTS)]
        acc = jnp.zeros((_ST, _D), jnp.float32)
        for i in range(_SLOTS):
            acc = mask_dec(es[i], lats[i], acc, (e_lo + i) <= e_hi)

        acc = jax.lax.fori_loop(
            _SLOTS, e_hi - e_lo + 1,
            lambda i, s: mask_dec(e_lo + i, enc_mm(e_lo + i), s, True), acc)

        out_ref[k * _ST:(k + 1) * _ST, :] = (
            ps_col[k * _ST:(k + 1) * _ST, :] * acc + bpre_ref[...])


def _segment(xs, bounds, b_pre, router_b, router_t, enc_t, dec):
    grid_spec = pltpu.PrefetchScalarGridSpec(
        num_scalar_prefetch=1,
        grid=(_T // (2 * _ST),),
        in_specs=[
            pl.BlockSpec((2 * _ST, _D), lambda t, b: (t, 0)),
            pl.BlockSpec((1, _D), lambda t, b: (0, 0)),
            pl.BlockSpec((1, _D), lambda t, b: (0, 0)),
            pl.BlockSpec((_E, _D), lambda t, b: (0, 0)),
            pl.BlockSpec((_E, _F, _D), lambda t, b: (0, 0, 0)),
            pl.BlockSpec((_E, _F, _D), lambda t, b: (0, 0, 0)),
        ],
        out_specs=pl.BlockSpec((2 * _ST, _D), lambda t, b: (t, 0)),
    )
    return pl.pallas_call(
        _seg_kernel,
        grid_spec=grid_spec,
        out_shape=jax.ShapeDtypeStruct((_T, _D), jnp.float32),
    )(bounds, xs, b_pre.reshape(1, _D), router_b.reshape(1, _D), router_t,
      enc_t, dec)



def _sc_unsort_body(ys_hbm, dst_hbm, out_hbm, dst_v, rows_v, sem):
    wid = lax.axis_index("s") * 2 + lax.axis_index("c")
    base = wid * _CHUNK
    pltpu.sync_copy(dst_hbm.at[pl.ds(base, _CHUNK)], dst_v)
    pltpu.async_copy(ys_hbm.at[dst_v], rows_v, sem).wait()
    pltpu.sync_copy(rows_v, out_hbm.at[pl.ds(base, _CHUNK)])


def _sc_unsort(ys, dst):
    mesh = plsc.VectorSubcoreMesh(core_axis_name="c", subcore_axis_name="s")
    f = functools.partial(
        pl.kernel, mesh=mesh,
        out_type=jax.ShapeDtypeStruct((_T, _D), jnp.float32),
        scratch_types=[
            pltpu.VMEM((_CHUNK,), jnp.int32),
            pltpu.VMEM((_CHUNK, _D), jnp.float32),
            pltpu.SemaphoreType.DMA,
        ],
    )(_sc_unsort_body)
    return f(ys, dst)



def kernel(activations, b_pre, enc, dec, router_b, router):
    router_t = router.T
    enc_t = enc.transpose(0, 2, 1)
    dst, bounds, src = _plan(activations, router_b, router_t)
    xs = _sc_gather(activations, src)
    ys = _segment(xs, bounds, b_pre, router_b, router_t, enc_t, dec)
    return _sc_unsort(ys, dst)

# --- scband reference (transcript-rebuilt; emitter-appended) ---
"""Pipeline reference for scband-switch-sae-23124103922404 (READ-ONLY COPY).

The authoritative reference and input builder live on the scoring server;
editing this copy changes nothing except your own understanding.
"""

import jax, jax.numpy as jnp
import numpy as np


def setup_inputs(seed: int = 0) -> dict:
    key = jax.random.key(seed)
    ks = jax.random.split(key, 6)
    d_in = 768
    E = 64
    n_features = 4096
    expert_dim = n_features // E
    T = 2048
    activations = jax.random.normal(ks[0], (T, d_in), dtype=jnp.float32)
    b_pre = jax.random.normal(ks[1], (d_in,), dtype=jnp.float32) * 0.01
    enc = jax.random.normal(ks[2], (E, d_in, expert_dim), dtype=jnp.float32) / (2 ** 0.5) / (d_in ** 0.5)
    dec = jax.random.normal(ks[3], (E, expert_dim, d_in), dtype=jnp.float32) / (expert_dim ** 0.5)
    router_b = jax.random.normal(ks[4], (d_in,), dtype=jnp.float32) * 0.01
    router = jax.random.normal(ks[5], (d_in, E), dtype=jnp.float32) / (d_in ** 0.5)
    return {"activations": activations, "b_pre": b_pre, "enc": enc, "dec": dec, "router_b": router_b, "router": router}


def reference(activations, b_pre, enc, dec, router_b, router):
    logits = (activations - router_b) @ router
    expert_probabilities = jax.nn.softmax(logits, axis=-1)
    expert_max_prob = jnp.max(expert_probabilities, axis=-1)
    expert_idx = jnp.argmax(expert_probabilities, axis=-1)
    # torch.gather on dim 0 with expanded index == per-token expert weight gather
    # (done under torch.no_grad in the original -> stop_gradient)
    routed_enc = jax.lax.stop_gradient(jnp.take(enc, expert_idx, axis=0))
    routed_dec = jax.lax.stop_gradient(jnp.take(dec, expert_idx, axis=0))
    # bmm((x - b_pre)[:, None, :], routed_enc) -> [T, 1, expert_dim]
    latent = jax.nn.relu(jnp.einsum('td,tdf->tf', activations - b_pre, routed_enc))
    # bmm(latent, routed_dec) -> [T, 1, d_in]
    reconstruction = jnp.einsum('tf,tfd->td', latent, routed_dec)
    reconstruction = expert_max_prob[:, None] * reconstruction + b_pre
    return reconstruction

if __name__ == "__main__":
    import jax
    _d = setup_inputs()
    print(jax.jit(kernel)(*tuple(_d.values())))

</pallas_src>

<mosaic_0001>
#map = affine_map<(d0, d1) -> (0, 0)>
#map1 = affine_map<(d0, d1) -> (0)>
module attributes {stable_mosaic.version = 14 : i64} {
  func.func @_sc_gather_body(%arg0: i32, %arg1: i32, %arg2: memref<2048x768xf32, #tpu.memory_space<hbm>>, %arg3: memref<2048xi32, #tpu.memory_space<hbm>>, %arg4: memref<2048x768xf32, #tpu.memory_space<hbm>>, %arg5: memref<64xi32, #tpu.memory_space<vmem>>, %arg6: memref<64x768xf32, #tpu.memory_space<vmem>>, %arg7: memref<!tpu.dma_semaphore, #tpu.memory_space<semaphore_mem>>) attributes {dimension_semantics = [#tpu.dimension_semantics<core_parallel>, #tpu.dimension_semantics<subcore_parallel>], iteration_bounds = array<i64: 2, 16>, scalar_prefetch = 0 : i64, scratch_operands = 3 : i64, tpu.core_type = #tpu.core_type<sc_vector_subcore>, window_params = [{transform_indices = #map}, {transform_indices = #map1}, {transform_indices = #map}]} {
    %mul3A = arith.constant 2 : i32
    %mul3A_0 = arith.muli %arg1, %mul3A : i32
    %add3A = arith.addi %mul3A_0, %arg0 : i32
    %mul3A_1 = arith.constant 64 : i32
    %mul3A_2 = arith.muli %add3A, %mul3A_1 : i32
    "tpu.region"() ({
      %run_scoped3A = tpu.sem_alloc : memref<!tpu.dma_semaphore, #tpu.memory_space<semaphore_mem>>
      %dma_start3A_7 = tpu.memref_slice %arg3[%mul3A_2] : memref<2048xi32, #tpu.memory_space<hbm>> -> memref<64xi32, #tpu.memory_space<hbm>>
      %dma_start3A_8 = tpu.memref_slice %arg3[%mul3A_2] : memref<2048xi32, #tpu.memory_space<hbm>> -> memref<64xi32, #tpu.memory_space<hbm>>
      tpu.enqueue_dma source(%dma_start3A_8 : memref<64xi32, #tpu.memory_space<hbm>>) target(%arg5 : memref<64xi32, #tpu.memory_space<vmem>>) target_semaphore(%run_scoped3A : memref<!tpu.dma_semaphore, #tpu.memory_space<semaphore_mem>>)
      %dma_wait3A_9 = tpu.memref_slice %arg3[%mul3A_2] : memref<2048xi32, #tpu.memory_space<hbm>> -> memref<64xi32, #tpu.memory_space<hbm>>
      %dma_wait3A_10 = tpu.memref_slice %arg3[%mul3A_2] : memref<2048xi32, #tpu.memory_space<hbm>> -> memref<64xi32, #tpu.memory_space<hbm>>
      tpu.wait_dma2 semaphore(%run_scoped3A : memref<!tpu.dma_semaphore, #tpu.memory_space<semaphore_mem>>) src(%dma_wait3A_10 : memref<64xi32, #tpu.memory_space<hbm>>) dst(%arg5 : memref<64xi32, #tpu.memory_space<vmem>>)
      tpu.yield
    }) : () -> ()
    %dma_start3A = arith.constant 0 : i32
    %dma_start3A_3 = arith.constant 0 : i32
    %dma_start3A_4 = tpu.memref_slice %arg2[%dma_start3A, %dma_start3A_3] : memref<2048x768xf32, #tpu.memory_space<hbm>> -> memref<2048x768xf32, #tpu.memory_space<hbm>>
    tpu.enqueue_indirect_dma source(%dma_start3A_4 : memref<2048x768xf32, #tpu.memory_space<hbm>>) target(%arg6 : memref<64x768xf32, #tpu.memory_space<vmem>>) offsets(%arg5 : memref<64xi32, #tpu.memory_space<vmem>>) semaphore(%arg7 : memref<!tpu.dma_semaphore, #tpu.memory_space<semaphore_mem>>)
    %dma_wait3A = arith.constant 0 : i32
    %dma_wait3A_5 = arith.constant 0 : i32
    %dma_wait3A_6 = tpu.memref_slice %arg2[%dma_wait3A, %dma_wait3A_5] : memref<2048x768xf32, #tpu.memory_space<hbm>> -> memref<2048x768xf32, #tpu.memory_space<hbm>>
    tpu.wait_indirect_dma semaphore(%arg7 : memref<!tpu.dma_semaphore, #tpu.memory_space<semaphore_mem>>) src(%dma_wait3A_6 : memref<2048x768xf32, #tpu.memory_space<hbm>>) dst(%arg6 : memref<64x768xf32, #tpu.memory_space<vmem>>)
    "tpu.region"() ({
      %run_scoped3A = tpu.sem_alloc : memref<!tpu.dma_semaphore, #tpu.memory_space<semaphore_mem>>
      %dma_start3A_7 = arith.constant 0 : i32
      %dma_start3A_8 = tpu.memref_slice %arg4[%mul3A_2, %dma_start3A_7] : memref<2048x768xf32, #tpu.memory_space<hbm>> -> memref<64x768xf32, #tpu.memory_space<hbm>>
      %dma_start3A_9 = arith.constant 0 : i32
      %dma_start3A_10 = tpu.memref_slice %arg4[%mul3A_2, %dma_start3A_9] : memref<2048x768xf32, #tpu.memory_space<hbm>> -> memref<64x768xf32, #tpu.memory_space<hbm>>
      tpu.enqueue_dma source(%arg6 : memref<64x768xf32, #tpu.memory_space<vmem>>) target(%dma_start3A_10 : memref<64x768xf32, #tpu.memory_space<hbm>>) target_semaphore(%run_scoped3A : memref<!tpu.dma_semaphore, #tpu.memory_space<semaphore_mem>>)
      %dma_wait3A_11 = arith.constant 0 : i32
      %dma_wait3A_12 = tpu.memref_slice %arg4[%mul3A_2, %dma_wait3A_11] : memref<2048x768xf32, #tpu.memory_space<hbm>> -> memref<64x768xf32, #tpu.memory_space<hbm>>
      %dma_wait3A_13 = arith.constant 0 : i32
      %dma_wait3A_14 = tpu.memref_slice %arg4[%mul3A_2, %dma_wait3A_13] : memref<2048x768xf32, #tpu.memory_space<hbm>> -> memref<64x768xf32, #tpu.memory_space<hbm>>
      tpu.wait_dma2 semaphore(%run_scoped3A : memref<!tpu.dma_semaphore, #tpu.memory_space<semaphore_mem>>) src(%arg6 : memref<64x768xf32, #tpu.memory_space<vmem>>) dst(%dma_wait3A_14 : memref<64x768xf32, #tpu.memory_space<hbm>>)
      tpu.yield
    }) : () -> ()
    return
  }
}

#map = affine_map<(d0, d1) -> (0, 0)>
#map1 = affine_map<(d0, d1) -> (0)>
module attributes {stable_mosaic.version = 14 : i64} {
  func.func @_sc_unsort_body(%arg0: i32, %arg1: i32, %arg2: memref<2048x768xf32, #tpu.memory_space<hbm>>, %arg3: memref<2048xi32, #tpu.memory_space<hbm>>, %arg4: memref<2048x768xf32, #tpu.memory_space<hbm>>, %arg5: memref<64xi32, #tpu.memory_space<vmem>>, %arg6: memref<64x768xf32, #tpu.memory_space<vmem>>, %arg7: memref<!tpu.dma_semaphore, #tpu.memory_space<semaphore_mem>>) attributes {dimension_semantics = [#tpu.dimension_semantics<core_parallel>, #tpu.dimension_semantics<subcore_parallel>], iteration_bounds = array<i64: 2, 16>, scalar_prefetch = 0 : i64, scratch_operands = 3 : i64, tpu.core_type = #tpu.core_type<sc_vector_subcore>, window_params = [{transform_indices = #map}, {transform_indices = #map1}, {transform_indices = #map}]} {
    %mul3A = arith.constant 2 : i32
    %mul3A_0 = arith.muli %arg1, %mul3A : i32
    %add3A = arith.addi %mul3A_0, %arg0 : i32
    %mul3A_1 = arith.constant 64 : i32
    %mul3A_2 = arith.muli %add3A, %mul3A_1 : i32
    "tpu.region"() ({
      %run_scoped3A = tpu.sem_alloc : memref<!tpu.dma_semaphore, #tpu.memory_space<semaphore_mem>>
      %dma_start3A_7 = tpu.memref_slice %arg3[%mul3A_2] : memref<2048xi32, #tpu.memory_space<hbm>> -> memref<64xi32, #tpu.memory_space<hbm>>
      %dma_start3A_8 = tpu.memref_slice %arg3[%mul3A_2] : memref<2048xi32, #tpu.memory_space<hbm>> -> memref<64xi32, #tpu.memory_space<hbm>>
      tpu.enqueue_dma source(%dma_start3A_8 : memref<64xi32, #tpu.memory_space<hbm>>) target(%arg5 : memref<64xi32, #tpu.memory_space<vmem>>) target_semaphore(%run_scoped3A : memref<!tpu.dma_semaphore, #tpu.memory_space<semaphore_mem>>)
      %dma_wait3A_9 = tpu.memref_slice %arg3[%mul3A_2] : memref<2048xi32, #tpu.memory_space<hbm>> -> memref<64xi32, #tpu.memory_space<hbm>>
      %dma_wait3A_10 = tpu.memref_slice %arg3[%mul3A_2] : memref<2048xi32, #tpu.memory_space<hbm>> -> memref<64xi32, #tpu.memory_space<hbm>>
      tpu.wait_dma2 semaphore(%run_scoped3A : memref<!tpu.dma_semaphore, #tpu.memory_space<semaphore_mem>>) src(%dma_wait3A_10 : memref<64xi32, #tpu.memory_space<hbm>>) dst(%arg5 : memref<64xi32, #tpu.memory_space<vmem>>)
      tpu.yield
    }) : () -> ()
    %dma_start3A = arith.constant 0 : i32
    %dma_start3A_3 = arith.constant 0 : i32
    %dma_start3A_4 = tpu.memref_slice %arg2[%dma_start3A, %dma_start3A_3] : memref<2048x768xf32, #tpu.memory_space<hbm>> -> memref<2048x768xf32, #tpu.memory_space<hbm>>
    tpu.enqueue_indirect_dma source(%dma_start3A_4 : memref<2048x768xf32, #tpu.memory_space<hbm>>) target(%arg6 : memref<64x768xf32, #tpu.memory_space<vmem>>) offsets(%arg5 : memref<64xi32, #tpu.memory_space<vmem>>) semaphore(%arg7 : memref<!tpu.dma_semaphore, #tpu.memory_space<semaphore_mem>>)
    %dma_wait3A = arith.constant 0 : i32
    %dma_wait3A_5 = arith.constant 0 : i32
    %dma_wait3A_6 = tpu.memref_slice %arg2[%dma_wait3A, %dma_wait3A_5] : memref<2048x768xf32, #tpu.memory_space<hbm>> -> memref<2048x768xf32, #tpu.memory_space<hbm>>
    tpu.wait_indirect_dma semaphore(%arg7 : memref<!tpu.dma_semaphore, #tpu.memory_space<semaphore_mem>>) src(%dma_wait3A_6 : memref<2048x768xf32, #tpu.memory_space<hbm>>) dst(%arg6 : memref<64x768xf32, #tpu.memory_space<vmem>>)
    "tpu.region"() ({
      %run_scoped3A = tpu.sem_alloc : memref<!tpu.dma_semaphore, #tpu.memory_space<semaphore_mem>>
      %dma_start3A_7 = arith.constant 0 : i32
      %dma_start3A_8 = tpu.memref_slice %arg4[%mul3A_2, %dma_start3A_7] : memref<2048x768xf32, #tpu.memory_space<hbm>> -> memref<64x768xf32, #tpu.memory_space<hbm>>
      %dma_start3A_9 = arith.constant 0 : i32
      %dma_start3A_10 = tpu.memref_slice %arg4[%mul3A_2, %dma_start3A_9] : memref<2048x768xf32, #tpu.memory_space<hbm>> -> memref<64x768xf32, #tpu.memory_space<hbm>>
      tpu.enqueue_dma source(%arg6 : memref<64x768xf32, #tpu.memory_space<vmem>>) target(%dma_start3A_10 : memref<64x768xf32, #tpu.memory_space<hbm>>) target_semaphore(%run_scoped3A : memref<!tpu.dma_semaphore, #tpu.memory_space<semaphore_mem>>)
      %dma_wait3A_11 = arith.constant 0 : i32
      %dma_wait3A_12 = tpu.memref_slice %arg4[%mul3A_2, %dma_wait3A_11] : memref<2048x768xf32, #tpu.memory_space<hbm>> -> memref<64x768xf32, #tpu.memory_space<hbm>>
      %dma_wait3A_13 = arith.constant 0 : i32
      %dma_wait3A_14 = tpu.memref_slice %arg4[%mul3A_2, %dma_wait3A_13] : memref<2048x768xf32, #tpu.memory_space<hbm>> -> memref<64x768xf32, #tpu.memory_space<hbm>>
      tpu.wait_dma2 semaphore(%run_scoped3A : memref<!tpu.dma_semaphore, #tpu.memory_space<semaphore_mem>>) src(%arg6 : memref<64x768xf32, #tpu.memory_space<vmem>>) dst(%dma_wait3A_14 : memref<64x768xf32, #tpu.memory_space<hbm>>)
      tpu.yield
    }) : () -> ()
    return
  }
}

module attributes {stable_mosaic.version = 14 : i64} {
  func.func @_plan_kernel(%arg0: memref<2048x768xf32, #tpu.memory_space<vmem>>, %arg1: memref<1x768xf32, #tpu.memory_space<vmem>>, %arg2: memref<64x768xf32, #tpu.memory_space<vmem>>, %arg3: memref<2048xi32, #tpu.memory_space<vmem>>, %arg4: memref<128xi32, #tpu.memory_space<vmem>>, %arg5: memref<2048xi32, #tpu.memory_space<smem>>, %arg6: memref<2048xi32, #tpu.memory_space<smem>>, %arg7: memref<!tpu.dma_semaphore, #tpu.memory_space<semaphore_mem>>) attributes {dimension_semantics = [], scalar_prefetch = 0 : i64, scratch_operands = 2 : i64, tpu.core_type = #tpu.core_type<tc>} {
    %get3A = arith.constant 0 : index
    %get3A_0 = arith.constant 0 : index
    %get3A_1 = vector.load %arg0[%get3A, %get3A_0] : memref<2048x768xf32, #tpu.memory_space<vmem>>, vector<2048x768xf32>
    %get3A_2 = arith.constant 0 : index
    %get3A_3 = arith.constant 0 : index
    %get3A_4 = vector.load %arg1[%get3A_2, %get3A_3] : memref<1x768xf32, #tpu.memory_space<vmem>>, vector<1x768xf32>
    %sub3A = vector.broadcast %get3A_4 : vector<1x768xf32> to vector<2048x768xf32>
    %sub3A_5 = arith.subf %get3A_1, %sub3A : vector<2048x768xf32>
    %get3A_6 = arith.constant 0 : index
    %get3A_7 = arith.constant 0 : index
    %get3A_8 = vector.load %arg2[%get3A_6, %get3A_7] : memref<64x768xf32, #tpu.memory_space<vmem>>, vector<64x768xf32>
    %dot_general3A = arith.constant dense<0.000000e+00> : vector<2048x64xf32>
    %dot_general3A_9 = tpu.matmul %sub3A_5, %get3A_8, %dot_general3A {dimension_numbers = #tpu.dot_dimension_numbers<[1], [1], [0], [0], [0, 0, 1, 0], [], []>, transpose_lhs_hint = false} : vector<2048x768xf32>, vector<64x768xf32>, vector<2048x64xf32> -> vector<2048x64xf32>
    %argmax3A = tpu.reduce_index %dot_general3A_9 {axis = 1 : i32, kind = #tpu.reduction_kind<arg_max>} : vector<2048x64xf32> -> vector<2048xi32>
    %iota3A = tpu.iota {dimensions = array<i32: 1>} : vector<2048x64xi32>
    %broadcast_in_dim3A = vector.shape_cast %argmax3A : vector<2048xi32> to vector<2048x1xi32>
    %eq3A = vector.broadcast %broadcast_in_dim3A : vector<2048x1xi32> to vector<2048x64xi32>
    %eq3A_10 = arith.cmpi eq, %iota3A, %eq3A : vector<2048x64xi32>
    %convert_element_type3A = arith.extui %eq3A_10 : vector<2048x64xi1> to vector<2048x64xi32>
    %convert_element_type3A_11 = arith.sitofp %convert_element_type3A : vector<2048x64xi32> to vector<2048x64xf32>
    %iota3A_12 = tpu.iota {dimensions = array<i32: 0>} : vector<256x256xi32>
    %iota3A_13 = tpu.iota {dimensions = array<i32: 1>} : vector<256x256xi32>
    %gt3A = arith.cmpi sgt, %iota3A_12, %iota3A_13 : vector<256x256xi32>
    %convert_element_type3A_14 = arith.extui %gt3A : vector<256x256xi1> to vector<256x256xi32>
    %convert_element_type3A_15 = arith.sitofp %convert_element_type3A_14 : vector<256x256xi32> to vector<256x256xf32>
    %broadcast_in_dim3A_16 = arith.constant 1.000000e+00 : f32
    %broadcast_in_dim3A_17 = vector.broadcast %broadcast_in_dim3A_16 : f32 to vector<1x256xf32>
    %broadcast_in_dim3A_18 = arith.constant 0.000000e+00 : f32
    %broadcast_in_dim3A_19 = vector.broadcast %broadcast_in_dim3A_18 : f32 to vector<1x64xf32>
    %slice3A = vector.extract_strided_slice %convert_element_type3A_11 {offsets = [0, 0], sizes = [256, 64], strides = [1, 1]} : vector<2048x64xf32> to vector<256x64xf32>
    %dot_general3A_20 = arith.constant dense<0.000000e+00> : vector<256x64xf32>
    %dot_general3A_21 = tpu.matmul %convert_element_type3A_15, %slice3A, %dot_general3A_20 {dimension_numbers = #tpu.dot_dimension_numbers<[1], [0], [0], [1], [0, 0, 1, 1], [], []>, transpose_lhs_hint = false} : vector<256x256xf32>, vector<256x64xf32>, vector<256x64xf32> -> vector<256x64xf32>
    %add3A = vector.broadcast %broadcast_in_dim3A_19 : vector<1x64xf32> to vector<256x64xf32>
    %add3A_22 = arith.addf %dot_general3A_21, %add3A : vector<256x64xf32>
    %dot_general3A_23 = arith.constant dense<0.000000e+00> : vector<1x64xf32>
    %dot_general3A_24 = tpu.matmul %broadcast_in_dim3A_17, %slice3A, %dot_general3A_23 {dimension_numbers = #tpu.dot_dimension_numbers<[1], [0], [0], [1], [0, 0, 1, 1], [], []>, transpose_lhs_hint = false} : vector<1x256xf32>, vector<256x64xf32>, vector<1x64xf32> -> vector<1x64xf32>
    %add3A_25 = arith.addf %broadcast_in_dim3A_19, %dot_general3A_24 : vector<1x64xf32>
    %slice3A_26 = vector.extract_strided_slice %convert_element_type3A_11 {offsets = [256, 0], sizes = [256, 64], strides = [1, 1]} : vector<2048x64xf32> to vector<256x64xf32>
    %dot_general3A_27 = arith.constant dense<0.000000e+00> : vector<256x64xf32>
    %dot_general3A_28 = tpu.matmul %convert_element_type3A_15, %slice3A_26, %dot_general3A_27 {dimension_numbers = #tpu.dot_dimension_numbers<[1], [0], [0], [1], [0, 0, 1, 1], [], []>, transpose_lhs_hint = false} : vector<256x256xf32>, vector<256x64xf32>, vector<256x64xf32> -> vector<256x64xf32>
    %add3A_29 = vector.broadcast %add3A_25 : vector<1x64xf32> to vector<256x64xf32>
    %add3A_30 = arith.addf %dot_general3A_28, %add3A_29 : vector<256x64xf32>
    %dot_general3A_31 = arith.constant dense<0.000000e+00> : vector<1x64xf32>
    %dot_general3A_32 = tpu.matmul %broadcast_in_dim3A_17, %slice3A_26, %dot_general3A_31 {dimension_numbers = #tpu.dot_dimension_numbers<[1], [0], [0], [1], [0, 0, 1, 1], [], []>, transpose_lhs_hint = false} : vector<1x256xf32>, vector<256x64xf32>, vector<1x64xf32> -> vector<1x64xf32>
    %add3A_33 = arith.addf %add3A_25, %dot_general3A_32 : vector<1x64xf32>
    %slice3A_34 = vector.extract_strided_slice %convert_element_type3A_11 {offsets = [512, 0], sizes = [256, 64], strides = [1, 1]} : vector<2048x64xf32> to vector<256x64xf32>
    %dot_general3A_35 = arith.constant dense<0.000000e+00> : vector<256x64xf32>
    %dot_general3A_36 = tpu.matmul %convert_element_type3A_15, %slice3A_34, %dot_general3A_35 {dimension_numbers = #tpu.dot_dimension_numbers<[1], [0], [0], [1], [0, 0, 1, 1], [], []>, transpose_lhs_hint = false} : vector<256x256xf32>, vector<256x64xf32>, vector<256x64xf32> -> vector<256x64xf32>
    %add3A_37 = vector.broadcast %add3A_33 : vector<1x64xf32> to vector<256x64xf32>
    %add3A_38 = arith.addf %dot_general3A_36, %add3A_37 : vector<256x64xf32>
    %dot_general3A_39 = arith.constant dense<0.000000e+00> : vector<1x64xf32>
    %dot_general3A_40 = tpu.matmul %broadcast_in_dim3A_17, %slice3A_34, %dot_general3A_39 {dimension_numbers = #tpu.dot_dimension_numbers<[1], [0], [0], [1], [0, 0, 1, 1], [], []>, transpose_lhs_hint = false} : vector<1x256xf32>, vector<256x64xf32>, vector<1x64xf32> -> vector<1x64xf32>
    %add3A_41 = arith.addf %add3A_33, %dot_general3A_40 : vector<1x64xf32>
    %slice3A_42 = vector.extract_strided_slice %convert_element_type3A_11 {offsets = [768, 0], sizes = [256, 64], strides = [1, 1]} : vector<2048x64xf32> to vector<256x64xf32>
    %dot_general3A_43 = arith.constant dense<0.000000e+00> : vector<256x64xf32>
    %dot_general3A_44 = tpu.matmul %convert_element_type3A_15, %slice3A_42, %dot_general3A_43 {dimension_numbers = #tpu.dot_dimension_numbers<[1], [0], [0], [1], [0, 0, 1, 1], [], []>, transpose_lhs_hint = false} : vector<256x256xf32>, vector<256x64xf32>, vector<256x64xf32> -> vector<256x64xf32>
    %add3A_45 = vector.broadcast %add3A_41 : vector<1x64xf32> to vector<256x64xf32>
    %add3A_46 = arith.addf %dot_general3A_44, %add3A_45 : vector<256x64xf32>
    %dot_general3A_47 = arith.constant dense<0.000000e+00> : vector<1x64xf32>
    %dot_general3A_48 = tpu.matmul %broadcast_in_dim3A_17, %slice3A_42, %dot_general3A_47 {dimension_numbers = #tpu.dot_dimension_numbers<[1], [0], [0], [1], [0, 0, 1, 1], [], []>, transpose_lhs_hint = false} : vector<1x256xf32>, vector<256x64xf32>, vector<1x64xf32> -> vector<1x64xf32>
    %add3A_49 = arith.addf %add3A_41, %dot_general3A_48 : vector<1x64xf32>
    %slice3A_50 = vector.extract_strided_slice %convert_element_type3A_11 {offsets = [1024, 0], sizes = [256, 64], strides = [1, 1]} : vector<2048x64xf32> to vector<256x64xf32>
    %dot_general3A_51 = arith.constant dense<0.000000e+00> : vector<256x64xf32>
    %dot_general3A_52 = tpu.matmul %convert_element_type3A_15, %slice3A_50, %dot_general3A_51 {dimension_numbers = #tpu.dot_dimension_numbers<[1], [0], [0], [1], [0, 0, 1, 1], [], []>, transpose_lhs_hint = false} : vector<256x256xf32>, vector<256x64xf32>, vector<256x64xf32> -> vector<256x64xf32>
    %add3A_53 = vector.broadcast %add3A_49 : vector<1x64xf32> to vector<256x64xf32>
    %add3A_54 = arith.addf %dot_general3A_52, %add3A_53 : vector<256x64xf32>
    %dot_general3A_55 = arith.constant dense<0.000000e+00> : vector<1x64xf32>
    %dot_general3A_56 = tpu.matmul %broadcast_in_dim3A_17, %slice3A_50, %dot_general3A_55 {dimension_numbers = #tpu.dot_dimension_numbers<[1], [0], [0], [1], [0, 0, 1, 1], [], []>, transpose_lhs_hint = false} : vector<1x256xf32>, vector<256x64xf32>, vector<1x64xf32> -> vector<1x64xf32>
    %add3A_57 = arith.addf %add3A_49, %dot_general3A_56 : vector<1x64xf32>
    %slice3A_58 = vector.extract_strided_slice %convert_element_type3A_11 {offsets = [1280, 0], sizes = [256, 64], strides = [1, 1]} : vector<2048x64xf32> to vector<256x64xf32>
    %dot_general3A_59 = arith.constant dense<0.000000e+00> : vector<256x64xf32>
    %dot_general3A_60 = tpu.matmul %convert_element_type3A_15, %slice3A_58, %dot_general3A_59 {dimension_numbers = #tpu.dot_dimension_numbers<[1], [0], [0], [1], [0, 0, 1, 1], [], []>, transpose_lhs_hint = false} : vector<256x256xf32>, vector<256x64xf32>, vector<256x64xf32> -> vector<256x64xf32>
    %add3A_61 = vector.broadcast %add3A_57 : vector<1x64xf32> to vector<256x64xf32>
    %add3A_62 = arith.addf %dot_general3A_60, %add3A_61 : vector<256x64xf32>
    %dot_general3A_63 = arith.constant dense<0.000000e+00> : vector<1x64xf32>
    %dot_general3A_64 = tpu.matmul %broadcast_in_dim3A_17, %slice3A_58, %dot_general3A_63 {dimension_numbers = #tpu.dot_dimension_numbers<[1], [0], [0], [1], [0, 0, 1, 1], [], []>, transpose_lhs_hint = false} : vector<1x256xf32>, vector<256x64xf32>, vector<1x64xf32> -> vector<1x64xf32>
    %add3A_65 = arith.addf %add3A_57, %dot_general3A_64 : vector<1x64xf32>
    %slice3A_66 = vector.extract_strided_slice %convert_element_type3A_11 {offsets = [1536, 0], sizes = [256, 64], strides = [1, 1]} : vector<2048x64xf32> to vector<256x64xf32>
    %dot_general3A_67 = arith.constant dense<0.000000e+00> : vector<256x64xf32>
    %dot_general3A_68 = tpu.matmul %convert_element_type3A_15, %slice3A_66, %dot_general3A_67 {dimension_numbers = #tpu.dot_dimension_numbers<[1], [0], [0], [1], [0, 0, 1, 1], [], []>, transpose_lhs_hint = false} : vector<256x256xf32>, vector<256x64xf32>, vector<256x64xf32> -> vector<256x64xf32>
    %add3A_69 = vector.broadcast %add3A_65 : vector<1x64xf32> to vector<256x64xf32>
    %add3A_70 = arith.addf %dot_general3A_68, %add3A_69 : vector<256x64xf32>
    %dot_general3A_71 = arith.constant dense<0.000000e+00> : vector<1x64xf32>
    %dot_general3A_72 = tpu.matmul %broadcast_in_dim3A_17, %slice3A_66, %dot_general3A_71 {dimension_numbers = #tpu.dot_dimension_numbers<[1], [0], [0], [1], [0, 0, 1, 1], [], []>, transpose_lhs_hint = false} : vector<1x256xf32>, vector<256x64xf32>, vector<1x64xf32> -> vector<1x64xf32>
    %add3A_73 = arith.addf %add3A_65, %dot_general3A_72 : vector<1x64xf32>
    %slice3A_74 = vector.extract_strided_slice %convert_element_type3A_11 {offsets = [1792, 0], sizes = [256, 64], strides = [1, 1]} : vector<2048x64xf32> to vector<256x64xf32>
    %dot_general3A_75 = arith.constant dense<0.000000e+00> : vector<256x64xf32>
    %dot_general3A_76 = tpu.matmul %convert_element_type3A_15, %slice3A_74, %dot_general3A_75 {dimension_numbers = #tpu.dot_dimension_numbers<[1], [0], [0], [1], [0, 0, 1, 1], [], []>, transpose_lhs_hint = false} : vector<256x256xf32>, vector<256x64xf32>, vector<256x64xf32> -> vector<256x64xf32>
    %add3A_77 = vector.broadcast %add3A_73 : vector<1x64xf32> to vector<256x64xf32>
    %add3A_78 = arith.addf %dot_general3A_76, %add3A_77 : vector<256x64xf32>
    %dot_general3A_79 = arith.constant dense<0.000000e+00> : vector<1x64xf32>
    %dot_general3A_80 = tpu.matmul %broadcast_in_dim3A_17, %slice3A_74, %dot_general3A_79 {dimension_numbers = #tpu.dot_dimension_numbers<[1], [0], [0], [1], [0, 0, 1, 1], [], []>, transpose_lhs_hint = false} : vector<1x256xf32>, vector<256x64xf32>, vector<1x64xf32> -> vector<1x64xf32>
    %add3A_81 = arith.addf %add3A_73, %dot_general3A_80 : vector<1x64xf32>
    %concatenate3A = tpu.concatenate %add3A_22, %add3A_30, %add3A_38, %add3A_46, %add3A_54, %add3A_62, %add3A_70, %add3A_78 in 0 : vector<256x64xf32>, vector<256x64xf32>, vector<256x64xf32>, vector<256x64xf32>, vector<256x64xf32>, vector<256x64xf32>, vector<256x64xf32>, vector<256x64xf32> -> vector<2048x64xf32>
    %mul3A = arith.mulf %concatenate3A, %convert_element_type3A_11 : vector<2048x64xf32>
    %reduce_sum3A = arith.constant dense<0.000000e+00> : vector<2048xf32>
    %reduce_sum3A_82 = vector.multi_reduction <add>, %mul3A, %reduce_sum3A [1] : vector<2048x64xf32> to vector<2048xf32>
    %broadcast_in_dim3A_83 = vector.shape_cast %reduce_sum3A_82 : vector<2048xf32> to vector<2048x1xf32>
    %iota3A_84 = tpu.iota {dimensions = array<i32: 0>} : vector<64x64xi32>
    %iota3A_85 = tpu.iota {dimensions = array<i32: 1>} : vector<64x64xi32>
    %lt3A = arith.cmpi slt, %iota3A_84, %iota3A_85 : vector<64x64xi32>
    %convert_element_type3A_86 = arith.extui %lt3A : vector<64x64xi1> to vector<64x64xi32>
    %convert_element_type3A_87 = arith.sitofp %convert_element_type3A_86 : vector<64x64xi32> to vector<64x64xf32>
    %dot_general3A_88 = arith.constant dense<0.000000e+00> : vector<1x64xf32>
    %dot_general3A_89 = tpu.matmul %add3A_81, %convert_element_type3A_87, %dot_general3A_88 {dimension_numbers = #tpu.dot_dimension_numbers<[1], [0], [0], [1], [0, 0, 1, 1], [], []>, transpose_lhs_hint = false} : vector<1x64xf32>, vector<64x64xf32>, vector<1x64xf32> -> vector<1x64xf32>
    %mul3A_90 = vector.broadcast %dot_general3A_89 : vector<1x64xf32> to vector<2048x64xf32>
    %mul3A_91 = arith.mulf %convert_element_type3A_11, %mul3A_90 : vector<2048x64xf32>
    %reduce_sum3A_92 = arith.constant dense<0.000000e+00> : vector<2048xf32>
    %reduce_sum3A_93 = vector.multi_reduction <add>, %mul3A_91, %reduce_sum3A_92 [1] : vector<2048x64xf32> to vector<2048xf32>
    %broadcast_in_dim3A_94 = vector.shape_cast %reduce_sum3A_93 : vector<2048xf32> to vector<2048x1xf32>
    %add3A_95 = arith.addf %dot_general3A_89, %add3A_81 : vector<1x64xf32>
    %transpose3A = tpu.transpose %add3A_95, [1, 0] : vector<1x64xf32> -> vector<64x1xf32>
    %iota3A_96 = tpu.iota {dimensions = array<i32: 1>} : vector<1x16xi32>
    %mul3A_97 = arith.constant 128 : i32
    %mul3A_98 = vector.broadcast %mul3A_97 : i32 to vector<1x16xi32>
    %mul3A_99 = arith.muli %iota3A_96, %mul3A_98 : vector<1x16xi32>
    %convert_element_type3A_100 = arith.sitofp %mul3A_99 : vector<1x16xi32> to vector<1x16xf32>
    %le3A = vector.broadcast %transpose3A : vector<64x1xf32> to vector<64x16xf32>
    %le3A_101 = vector.broadcast %convert_element_type3A_100 : vector<1x16xf32> to vector<64x16xf32>
    %le3A_102 = arith.cmpf ole, %le3A, %le3A_101 : vector<64x16xf32>
    %convert_element_type3A_103 = arith.extui %le3A_102 : vector<64x16xi1> to vector<64x16xi32>
    %reduce_sum3A_104 = arith.constant dense<0> : vector<16xi32>
    %reduce_sum3A_105 = vector.multi_reduction <add>, %convert_element_type3A_103, %reduce_sum3A_104 [0] : vector<64x16xi32> to vector<16xi32>
    %broadcast_in_dim3A_106 = vector.shape_cast %reduce_sum3A_105 : vector<16xi32> to vector<1x16xi32>
    %add3A_107 = arith.constant 1.270000e+02 : f32
    %add3A_108 = vector.broadcast %add3A_107 : f32 to vector<1x16xf32>
    %add3A_109 = arith.addf %convert_element_type3A_100, %add3A_108 : vector<1x16xf32>
    %le3A_110 = vector.broadcast %transpose3A : vector<64x1xf32> to vector<64x16xf32>
    %le3A_111 = vector.broadcast %add3A_109 : vector<1x16xf32> to vector<64x16xf32>
    %le3A_112 = arith.cmpf ole, %le3A_110, %le3A_111 : vector<64x16xf32>
    %convert_element_type3A_113 = arith.extui %le3A_112 : vector<64x16xi1> to vector<64x16xi32>
    %reduce_sum3A_114 = arith.constant dense<0> : vector<16xi32>
    %reduce_sum3A_115 = vector.multi_reduction <add>, %convert_element_type3A_113, %reduce_sum3A_114 [0] : vector<64x16xi32> to vector<16xi32>
    %broadcast_in_dim3A_116 = vector.shape_cast %reduce_sum3A_115 : vector<16xi32> to vector<1x16xi32>
    %add3A_117 = arith.addf %broadcast_in_dim3A_83, %broadcast_in_dim3A_94 : vector<2048x1xf32>
    %convert_element_type3A_118 = arith.fptosi %add3A_117 : vector<2048x1xf32> to vector<2048x1xi32>
    %reshape3A = vector.shape_cast %convert_element_type3A_118 : vector<2048x1xi32> to vector<2048xi32>
    %swap3A = arith.constant 0 : index
    %swap3A_119 = vector.load %arg3[%swap3A] : memref<2048xi32, #tpu.memory_space<vmem>>, vector<2048xi32>
    tpu.vector_store %arg3[%swap3A], %reshape3A {strides = array<i32>} : memref<2048xi32, #tpu.memory_space<vmem>>, vector<2048xi32>,
    %convert_element_type3A_120 = arith.fptosi %dot_general3A_89 : vector<1x64xf32> to vector<1x64xi32>
    %broadcast_in_dim3A_121 = arith.constant 2048 : i32
    %broadcast_in_dim3A_122 = vector.broadcast %broadcast_in_dim3A_121 : i32 to vector<1x1xi32>
    %broadcast_in_dim3A_123 = arith.constant 0 : i32
    %broadcast_in_dim3A_124 = vector.broadcast %broadcast_in_dim3A_123 : i32 to vector<1x31xi32>
    %concatenate3A_125 = tpu.concatenate %convert_element_type3A_120, %broadcast_in_dim3A_122, %broadcast_in_dim3A_124, %broadcast_in_dim3A_106, %broadcast_in_dim3A_116 in 1 : vector<1x64xi32>, vector<1x1xi32>, vector<1x31xi32>, vector<1x16xi32>, vector<1x16xi32> -> vector<1x128xi32>
    %reshape3A_126 = vector.shape_cast %concatenate3A_125 : vector<1x128xi32> to vector<128xi32>
    %swap3A_127 = arith.constant 0 : index
    %swap3A_128 = vector.load %arg4[%swap3A_127] : memref<128xi32, #tpu.memory_space<vmem>>, vector<128xi32>
    tpu.vector_store %arg4[%swap3A_127], %reshape3A_126 {strides = array<i32>} : memref<128xi32, #tpu.memory_space<vmem>>, vector<128xi32>,
    tpu.enqueue_dma source(%arg3 : memref<2048xi32, #tpu.memory_space<vmem>>) target(%arg6 : memref<2048xi32, #tpu.memory_space<smem>>) target_semaphore(%arg7 : memref<!tpu.dma_semaphore, #tpu.memory_space<semaphore_mem>>)
    tpu.wait_dma2 semaphore(%arg7 : memref<!tpu.dma_semaphore, #tpu.memory_space<semaphore_mem>>) src(%arg3 : memref<2048xi32, #tpu.memory_space<vmem>>) dst(%arg6 : memref<2048xi32, #tpu.memory_space<smem>>)
    %scan3A = arith.constant 0 : i32
    %scan3A_129 = arith.constant 2048 : i32
    %scan3A_130 = arith.addi %scan3A, %scan3A_129 : i32
    %scan3A_131 = arith.constant 8 : i32
    scf.for %scan3A_133 = %scan3A to %scan3A_130 step %scan3A_131  : i32 {
      %get3A_134 = arith.index_cast %scan3A_133 : i32 to index
      %get3A_135 = memref.load %arg6[%get3A_134] : memref<2048xi32, #tpu.memory_space<smem>>
      %swap3A_136 = arith.index_cast %get3A_135 : i32 to index
      %swap3A_137 = memref.load %arg5[%swap3A_136] : memref<2048xi32, #tpu.memory_space<smem>>
      memref.store %scan3A_133, %arg5[%swap3A_136] : memref<2048xi32, #tpu.memory_space<smem>>
      %scan3A_138 = arith.constant 1 : i32
      %scan3A_139 = arith.addi %scan3A_133, %scan3A_138 : i32
      %get3A_140 = arith.index_cast %scan3A_139 : i32 to index
      %get3A_141 = memref.load %arg6[%get3A_140] : memref<2048xi32, #tpu.memory_space<smem>>
      %swap3A_142 = arith.index_cast %get3A_141 : i32 to index
      %swap3A_143 = memref.load %arg5[%swap3A_142] : memref<2048xi32, #tpu.memory_space<smem>>
      memref.store %scan3A_139, %arg5[%swap3A_142] : memref<2048xi32, #tpu.memory_space<smem>>
      %scan3A_144 = arith.constant 2 : i32
      %scan3A_145 = arith.addi %scan3A_133, %scan3A_144 : i32
      %get3A_146 = arith.index_cast %scan3A_145 : i32 to index
      %get3A_147 = memref.load %arg6[%get3A_146] : memref<2048xi32, #tpu.memory_space<smem>>
      %swap3A_148 = arith.index_cast %get3A_147 : i32 to index
      %swap3A_149 = memref.load %arg5[%swap3A_148] : memref<2048xi32, #tpu.memory_space<smem>>
      memref.store %scan3A_145, %arg5[%swap3A_148] : memref<2048xi32, #tpu.memory_space<smem>>
      %scan3A_150 = arith.constant 3 : i32
      %scan3A_151 = arith.addi %scan3A_133, %scan3A_150 : i32
      %get3A_152 = arith.index_cast %scan3A_151 : i32 to index
      %get3A_153 = memref.load %arg6[%get3A_152] : memref<2048xi32, #tpu.memory_space<smem>>
      %swap3A_154 = arith.index_cast %get3A_153 : i32 to index
      %swap3A_155 = memref.load %arg5[%swap3A_154] : memref<2048xi32, #tpu.memory_space<smem>>
      memref.store %scan3A_151, %arg5[%swap3A_154] : memref<2048xi32, #tpu.memory_space<smem>>
      %scan3A_156 = arith.constant 4 : i32
      %scan3A_157 = arith.addi %scan3A_133, %scan3A_156 : i32
      %get3A_158 = arith.index_cast %scan3A_157 : i32 to index
      %get3A_159 = memref.load %arg6[%get3A_158] : memref<2048xi32, #tpu.memory_space<smem>>
      %swap3A_160 = arith.index_cast %get3A_159 : i32 to index
      %swap3A_161 = memref.load %arg5[%swap3A_160] : memref<2048xi32, #tpu.memory_space<smem>>
      memref.store %scan3A_157, %arg5[%swap3A_160] : memref<2048xi32, #tpu.memory_space<smem>>
      %scan3A_162 = arith.constant 5 : i32
      %scan3A_163 = arith.addi %scan3A_133, %scan3A_162 : i32
      %get3A_164 = arith.index_cast %scan3A_163 : i32 to index
      %get3A_165 = memref.load %arg6[%get3A_164] : memref<2048xi32, #tpu.memory_space<smem>>
      %swap3A_166 = arith.index_cast %get3A_165 : i32 to index
      %swap3A_167 = memref.load %arg5[%swap3A_166] : memref<2048xi32, #tpu.memory_space<smem>>
      memref.store %scan3A_163, %arg5[%swap3A_166] : memref<2048xi32, #tpu.memory_space<smem>>
      %scan3A_168 = arith.constant 6 : i32
      %scan3A_169 = arith.addi %scan3A_133, %scan3A_168 : i32
      %get3A_170 = arith.index_cast %scan3A_169 : i32 to index
      %get3A_171 = memref.load %arg6[%get3A_170] : memref<2048xi32, #tpu.memory_space<smem>>
      %swap3A_172 = arith.index_cast %get3A_171 : i32 to index
      %swap3A_173 = memref.load %arg5[%swap3A_172] : memref<2048xi32, #tpu.memory_space<smem>>
      memref.store %scan3A_169, %arg5[%swap3A_172] : memref<2048xi32, #tpu.memory_space<smem>>
      %scan3A_174 = arith.constant 7 : i32
      %scan3A_175 = arith.addi %scan3A_133, %scan3A_174 : i32
      %get3A_176 = arith.index_cast %scan3A_175 : i32 to index
      %get3A_177 = memref.load %arg6[%get3A_176] : memref<2048xi32, #tpu.memory_space<smem>>
      %swap3A_178 = arith.index_cast %get3A_177 : i32 to index
      %swap3A_179 = memref.load %arg5[%swap3A_178] : memref<2048xi32, #tpu.memory_space<smem>>
      memref.store %scan3A_175, %arg5[%swap3A_178] : memref<2048xi32, #tpu.memory_space<smem>>
    }
    %scan3A_132 = arith.constant 2048 : i32
    return
  }
}

module attributes {stable_mosaic.version = 14 : i64} {
  func.func @_seg_kernel(%arg0: i32, %arg1: memref<128xi32, #tpu.memory_space<smem>>, %arg2: memref<256x768xf32, #tpu.memory_space<vmem>>, %arg3: memref<1x768xf32, #tpu.memory_space<vmem>>, %arg4: memref<1x768xf32, #tpu.memory_space<vmem>>, %arg5: memref<64x768xf32, #tpu.memory_space<vmem>>, %arg6: memref<64x64x768xf32, #tpu.memory_space<vmem>>, %arg7: memref<64x64x768xf32, #tpu.memory_space<vmem>>, %arg8: memref<256x768xf32, #tpu.memory_space<vmem>>) attributes {dimension_semantics = [#tpu.dimension_semantics<arbitrary>], iteration_bounds = array<i64: 8>, scalar_prefetch = 1 : i64, scratch_operands = 0 : i64, tpu.core_type = #tpu.core_type<tc>, window_params = [{transform_indices = @transform_0, window_bounds = array<i64: 256, 768>}, {pipeline_mode = #tpu.pipeline_mode<synchronous>, transform_indices = @transform_1, window_bounds = array<i64: 1, 768>}, {pipeline_mode = #tpu.pipeline_mode<synchronous>, transform_indices = @transform_2, window_bounds = array<i64: 1, 768>}, {pipeline_mode = #tpu.pipeline_mode<synchronous>, transform_indices = @transform_3, window_bounds = array<i64: 64, 768>}, {pipeline_mode = #tpu.pipeline_mode<synchronous>, transform_indices = @transform_4, window_bounds = array<i64: 64, 64, 768>}, {pipeline_mode = #tpu.pipeline_mode<synchronous>, transform_indices = @transform_5, window_bounds = array<i64: 64, 64, 768>}, {transform_indices = @transform_6, window_bounds = array<i64: 256, 768>}]} {
    %get3A = arith.constant 0 : index
    %get3A_0 = arith.constant 0 : index
    %get3A_1 = vector.load %arg2[%get3A, %get3A_0] : memref<256x768xf32, #tpu.memory_space<vmem>>, vector<256x768xf32>
    %get3A_2 = arith.constant 0 : index
    %get3A_3 = arith.constant 0 : index
    %get3A_4 = vector.load %arg3[%get3A_2, %get3A_3] : memref<1x768xf32, #tpu.memory_space<vmem>>, vector<1x768xf32>
    %sub3A = vector.broadcast %get3A_4 : vector<1x768xf32> to vector<256x768xf32>
    %sub3A_5 = arith.subf %get3A_1, %sub3A : vector<256x768xf32>
    %get3A_6 = arith.constant 0 : index
    %get3A_7 = arith.constant 0 : index
    %get3A_8 = vector.load %arg4[%get3A_6, %get3A_7] : memref<1x768xf32, #tpu.memory_space<vmem>>, vector<1x768xf32>
    %sub3A_9 = vector.broadcast %get3A_8 : vector<1x768xf32> to vector<256x768xf32>
    %sub3A_10 = arith.subf %get3A_1, %sub3A_9 : vector<256x768xf32>
    %get3A_11 = arith.constant 0 : index
    %get3A_12 = arith.constant 0 : index
    %get3A_13 = vector.load %arg5[%get3A_11, %get3A_12] : memref<64x768xf32, #tpu.memory_space<vmem>>, vector<64x768xf32>
    %dot_general3A = arith.constant dense<0.000000e+00> : vector<256x64xf32>
    %dot_general3A_14 = tpu.matmul %sub3A_10, %get3A_13, %dot_general3A {dimension_numbers = #tpu.dot_dimension_numbers<[1], [1], [0], [0], [0, 0, 1, 0], [], []>, transpose_lhs_hint = false} : vector<256x768xf32>, vector<64x768xf32>, vector<256x64xf32> -> vector<256x64xf32>
    %reduce_max3A = arith.constant dense<0xFF800000> : vector<256xf32>
    %reduce_max3A_15 = vector.multi_reduction <maximumf>, %dot_general3A_14, %reduce_max3A [1] : vector<256x64xf32> to vector<256xf32>
    %broadcast_in_dim3A = vector.shape_cast %reduce_max3A_15 : vector<256xf32> to vector<256x1xf32>
    %sub3A_16 = vector.broadcast %broadcast_in_dim3A : vector<256x1xf32> to vector<256x64xf32>
    %sub3A_17 = arith.subf %dot_general3A_14, %sub3A_16 : vector<256x64xf32>
    %exp3A = math.exp %sub3A_17 : vector<256x64xf32>
    %reduce_sum3A = arith.constant dense<0.000000e+00> : vector<256xf32>
    %reduce_sum3A_18 = vector.multi_reduction <add>, %exp3A, %reduce_sum3A [1] : vector<256x64xf32> to vector<256xf32>
    %broadcast_in_dim3A_19 = vector.shape_cast %reduce_sum3A_18 : vector<256xf32> to vector<256x1xf32>
    %div3A = arith.constant 1.000000e+00 : f32
    %div3A_20 = vector.broadcast %div3A : f32 to vector<256x1xf32>
    %div3A_21 = arith.divf %div3A_20, %broadcast_in_dim3A_19 : vector<256x1xf32>
    %mul3A = arith.constant 2 : i32
    %mul3A_22 = arith.muli %arg0, %mul3A : i32
    %add3A = arith.constant 0 : i32
    %add3A_23 = arith.addi %mul3A_22, %add3A : i32
    %add3A_24 = arith.constant 96 : i32
    %add3A_25 = arith.addi %add3A_24, %add3A_23 : i32
    %get3A_26 = arith.index_cast %add3A_25 : i32 to index
    %get3A_27 = memref.load %arg1[%get3A_26] : memref<128xi32, #tpu.memory_space<smem>>
    %add3A_28 = arith.constant 112 : i32
    %add3A_29 = arith.addi %add3A_28, %add3A_23 : i32
    %get3A_30 = arith.index_cast %add3A_29 : i32 to index
    %get3A_31 = memref.load %arg1[%get3A_30] : memref<128xi32, #tpu.memory_space<smem>>
    %slice3A = vector.extract_strided_slice %sub3A_5 {offsets = [0, 0], sizes = [128, 768], strides = [1, 1]} : vector<256x768xf32> to vector<128x768xf32>
    %iota3A = tpu.iota {dimensions = array<i32: 0>} : vector<128x1xi32>
    %mul3A_32 = arith.constant 128 : i32
    %mul3A_33 = arith.muli %add3A_23, %mul3A_32 : i32
    %add3A_34 = vector.broadcast %mul3A_33 : i32 to vector<128x1xi32>
    %add3A_35 = arith.addi %iota3A, %add3A_34 : vector<128x1xi32>
    %add3A_36 = arith.constant 0 : i32
    %add3A_37 = arith.addi %get3A_27, %add3A_36 : i32
    %min3A = arith.constant 63 : i32
    %min3A_38 = arith.minsi %add3A_37, %min3A : i32
    %add3A_39 = arith.constant 1 : i32
    %add3A_40 = arith.addi %get3A_27, %add3A_39 : i32
    %min3A_41 = arith.constant 63 : i32
    %min3A_42 = arith.minsi %add3A_40, %min3A_41 : i32
    %add3A_43 = arith.constant 2 : i32
    %add3A_44 = arith.addi %get3A_27, %add3A_43 : i32
    %min3A_45 = arith.constant 63 : i32
    %min3A_46 = arith.minsi %add3A_44, %min3A_45 : i32
    %add3A_47 = arith.constant 3 : i32
    %add3A_48 = arith.addi %get3A_27, %add3A_47 : i32
    %min3A_49 = arith.constant 63 : i32
    %min3A_50 = arith.minsi %add3A_48, %min3A_49 : i32
    %add3A_51 = arith.constant 4 : i32
    %add3A_52 = arith.addi %get3A_27, %add3A_51 : i32
    %min3A_53 = arith.constant 63 : i32
    %min3A_54 = arith.minsi %add3A_52, %min3A_53 : i32
    %add3A_55 = arith.constant 5 : i32
    %add3A_56 = arith.addi %get3A_27, %add3A_55 : i32
    %min3A_57 = arith.constant 63 : i32
    %min3A_58 = arith.minsi %add3A_56, %min3A_57 : i32
    %get3A_59 = arith.index_cast %min3A_38 : i32 to index
    %get3A_60 = arith.constant 0 : index
    %get3A_61 = arith.constant 0 : index
    %get3A_62 = vector.load %arg6[%get3A_59, %get3A_60, %get3A_61] : memref<64x64x768xf32, #tpu.memory_space<vmem>>, vector<1x64x768xf32>
    %get3A_63 = vector.shape_cast %get3A_62 : vector<1x64x768xf32> to vector<64x768xf32>
    %dot_general3A_64 = arith.constant dense<0.000000e+00> : vector<128x64xf32>
    %dot_general3A_65 = tpu.matmul %slice3A, %get3A_63, %dot_general3A_64 {dimension_numbers = #tpu.dot_dimension_numbers<[1], [1], [0], [0], [0, 0, 1, 0], [], []>, transpose_lhs_hint = false} : vector<128x768xf32>, vector<64x768xf32>, vector<128x64xf32> -> vector<128x64xf32>
    %get3A_66 = arith.index_cast %min3A_42 : i32 to index
    %get3A_67 = arith.constant 0 : index
    %get3A_68 = arith.constant 0 : index
    %get3A_69 = vector.load %arg6[%get3A_66, %get3A_67, %get3A_68] : memref<64x64x768xf32, #tpu.memory_space<vmem>>, vector<1x64x768xf32>
    %get3A_70 = vector.shape_cast %get3A_69 : vector<1x64x768xf32> to vector<64x768xf32>
    %dot_general3A_71 = arith.constant dense<0.000000e+00> : vector<128x64xf32>
    %dot_general3A_72 = tpu.matmul %slice3A, %get3A_70, %dot_general3A_71 {dimension_numbers = #tpu.dot_dimension_numbers<[1], [1], [0], [0], [0, 0, 1, 0], [], []>, transpose_lhs_hint = false} : vector<128x768xf32>, vector<64x768xf32>, vector<128x64xf32> -> vector<128x64xf32>
    %get3A_73 = arith.index_cast %min3A_46 : i32 to index
    %get3A_74 = arith.constant 0 : index
    %get3A_75 = arith.constant 0 : index
    %get3A_76 = vector.load %arg6[%get3A_73, %get3A_74, %get3A_75] : memref<64x64x768xf32, #tpu.memory_space<vmem>>, vector<1x64x768xf32>
    %get3A_77 = vector.shape_cast %get3A_76 : vector<1x64x768xf32> to vector<64x768xf32>
    %dot_general3A_78 = arith.constant dense<0.000000e+00> : vector<128x64xf32>
    %dot_general3A_79 = tpu.matmul %slice3A, %get3A_77, %dot_general3A_78 {dimension_numbers = #tpu.dot_dimension_numbers<[1], [1], [0], [0], [0, 0, 1, 0], [], []>, transpose_lhs_hint = false} : vector<128x768xf32>, vector<64x768xf32>, vector<128x64xf32> -> vector<128x64xf32>
    %get3A_80 = arith.index_cast %min3A_50 : i32 to index
    %get3A_81 = arith.constant 0 : index
    %get3A_82 = arith.constant 0 : index
    %get3A_83 = vector.load %arg6[%get3A_80, %get3A_81, %get3A_82] : memref<64x64x768xf32, #tpu.memory_space<vmem>>, vector<1x64x768xf32>
    %get3A_84 = vector.shape_cast %get3A_83 : vector<1x64x768xf32> to vector<64x768xf32>
    %dot_general3A_85 = arith.constant dense<0.000000e+00> : vector<128x64xf32>
    %dot_general3A_86 = tpu.matmul %slice3A, %get3A_84, %dot_general3A_85 {dimension_numbers = #tpu.dot_dimension_numbers<[1], [1], [0], [0], [0, 0, 1, 0], [], []>, transpose_lhs_hint = false} : vector<128x768xf32>, vector<64x768xf32>, vector<128x64xf32> -> vector<128x64xf32>
    %get3A_87 = arith.index_cast %min3A_54 : i32 to index
    %get3A_88 = arith.constant 0 : index
    %get3A_89 = arith.constant 0 : index
    %get3A_90 = vector.load %arg6[%get3A_87, %get3A_88, %get3A_89] : memref<64x64x768xf32, #tpu.memory_space<vmem>>, vector<1x64x768xf32>
    %get3A_91 = vector.shape_cast %get3A_90 : vector<1x64x768xf32> to vector<64x768xf32>
    %dot_general3A_92 = arith.constant dense<0.000000e+00> : vector<128x64xf32>
    %dot_general3A_93 = tpu.matmul %slice3A, %get3A_91, %dot_general3A_92 {dimension_numbers = #tpu.dot_dimension_numbers<[1], [1], [0], [0], [0, 0, 1, 0], [], []>, transpose_lhs_hint = false} : vector<128x768xf32>, vector<64x768xf32>, vector<128x64xf32> -> vector<128x64xf32>
    %get3A_94 = arith.index_cast %min3A_58 : i32 to index
    %get3A_95 = arith.constant 0 : index
    %get3A_96 = arith.constant 0 : index
    %get3A_97 = vector.load %arg6[%get3A_94, %get3A_95, %get3A_96] : memref<64x64x768xf32, #tpu.memory_space<vmem>>, vector<1x64x768xf32>
    %get3A_98 = vector.shape_cast %get3A_97 : vector<1x64x768xf32> to vector<64x768xf32>
    %dot_general3A_99 = arith.constant dense<0.000000e+00> : vector<128x64xf32>
    %dot_general3A_100 = tpu.matmul %slice3A, %get3A_98, %dot_general3A_99 {dimension_numbers = #tpu.dot_dimension_numbers<[1], [1], [0], [0], [0, 0, 1, 0], [], []>, transpose_lhs_hint = false} : vector<128x768xf32>, vector<64x768xf32>, vector<128x64xf32> -> vector<128x64xf32>
    %broadcast_in_dim3A_101 = arith.constant 0.000000e+00 : f32
    %broadcast_in_dim3A_102 = vector.broadcast %broadcast_in_dim3A_101 : f32 to vector<128x768xf32>
    %add3A_103 = arith.constant 0 : i32
    %add3A_104 = arith.addi %get3A_27, %add3A_103 : i32
    %le3A = arith.cmpi sle, %add3A_104, %get3A_31 : i32
    %max3A = arith.constant 0.000000e+00 : f32
    %max3A_105 = vector.broadcast %max3A : f32 to vector<128x64xf32>
    %max3A_106 = arith.maximumf %dot_general3A_65, %max3A_105 : vector<128x64xf32>
    %get3A_107 = arith.index_cast %min3A_38 : i32 to index
    %get3A_108 = memref.load %arg1[%get3A_107] : memref<128xi32, #tpu.memory_space<smem>>
    %ge3A = vector.broadcast %get3A_108 : i32 to vector<128x1xi32>
    %ge3A_109 = arith.cmpi sge, %add3A_35, %ge3A : vector<128x1xi32>
    %add3A_110 = arith.constant 1 : i32
    %add3A_111 = arith.addi %min3A_38, %add3A_110 : i32
    %get3A_112 = arith.index_cast %add3A_111 : i32 to index
    %get3A_113 = memref.load %arg1[%get3A_112] : memref<128xi32, #tpu.memory_space<smem>>
    %lt3A = vector.broadcast %get3A_113 : i32 to vector<128x1xi32>
    %lt3A_114 = arith.cmpi slt, %add3A_35, %lt3A : vector<128x1xi32>
    %and3A = arith.andi %ge3A_109, %lt3A_114 : vector<128x1xi1>
    %and3A_115 = vector.broadcast %le3A : i1 to vector<128x1xi1>
    %and3A_116 = arith.andi %and3A, %and3A_115 : vector<128x1xi1>
    %jit3A = arith.constant 0.000000e+00 : f32
    %broadcast_in_dim3A_117 = vector.shape_cast %and3A_116 : vector<128x1xi1> to vector<128x1xi1>
    %broadcast_in_dim3A_118 = vector.broadcast %broadcast_in_dim3A_117 : vector<128x1xi1> to vector<128x64xi1>
    %broadcast_in_dim3A_119 = vector.broadcast %jit3A : f32 to vector<128x64xf32>
    %select_n3A = arith.select %broadcast_in_dim3A_118, %max3A_106, %broadcast_in_dim3A_119 : vector<128x64xi1>, vector<128x64xf32>
    %get3A_120 = arith.index_cast %min3A_38 : i32 to index
    %get3A_121 = arith.constant 0 : index
    %get3A_122 = arith.constant 0 : index
    %get3A_123 = vector.load %arg7[%get3A_120, %get3A_121, %get3A_122] : memref<64x64x768xf32, #tpu.memory_space<vmem>>, vector<1x64x768xf32>
    %get3A_124 = vector.shape_cast %get3A_123 : vector<1x64x768xf32> to vector<64x768xf32>
    %dot_general3A_125 = arith.constant dense<0.000000e+00> : vector<128x768xf32>
    %dot_general3A_126 = tpu.matmul %select_n3A, %get3A_124, %dot_general3A_125 {dimension_numbers = #tpu.dot_dimension_numbers<[1], [0], [0], [1], [0, 0, 1, 1], [], []>, transpose_lhs_hint = false} : vector<128x64xf32>, vector<64x768xf32>, vector<128x768xf32> -> vector<128x768xf32>
    %add3A_127 = arith.addf %broadcast_in_dim3A_102, %dot_general3A_126 : vector<128x768xf32>
    %add3A_128 = arith.constant 1 : i32
    %add3A_129 = arith.addi %get3A_27, %add3A_128 : i32
    %le3A_130 = arith.cmpi sle, %add3A_129, %get3A_31 : i32
    %max3A_131 = arith.constant 0.000000e+00 : f32
    %max3A_132 = vector.broadcast %max3A_131 : f32 to vector<128x64xf32>
    %max3A_133 = arith.maximumf %dot_general3A_72, %max3A_132 : vector<128x64xf32>
    %get3A_134 = arith.index_cast %min3A_42 : i32 to index
    %get3A_135 = memref.load %arg1[%get3A_134] : memref<128xi32, #tpu.memory_space<smem>>
    %ge3A_136 = vector.broadcast %get3A_135 : i32 to vector<128x1xi32>
    %ge3A_137 = arith.cmpi sge, %add3A_35, %ge3A_136 : vector<128x1xi32>
    %add3A_138 = arith.constant 1 : i32
    %add3A_139 = arith.addi %min3A_42, %add3A_138 : i32
    %get3A_140 = arith.index_cast %add3A_139 : i32 to index
    %get3A_141 = memref.load %arg1[%get3A_140] : memref<128xi32, #tpu.memory_space<smem>>
    %lt3A_142 = vector.broadcast %get3A_141 : i32 to vector<128x1xi32>
    %lt3A_143 = arith.cmpi slt, %add3A_35, %lt3A_142 : vector<128x1xi32>
    %and3A_144 = arith.andi %ge3A_137, %lt3A_143 : vector<128x1xi1>
    %and3A_145 = vector.broadcast %le3A_130 : i1 to vector<128x1xi1>
    %and3A_146 = arith.andi %and3A_144, %and3A_145 : vector<128x1xi1>
    %jit3A_147 = arith.constant 0.000000e+00 : f32
    %broadcast_in_dim3A_148 = vector.shape_cast %and3A_146 : vector<128x1xi1> to vector<128x1xi1>
    %broadcast_in_dim3A_149 = vector.broadcast %broadcast_in_dim3A_148 : vector<128x1xi1> to vector<128x64xi1>
    %broadcast_in_dim3A_150 = vector.broadcast %jit3A_147 : f32 to vector<128x64xf32>
    %select_n3A_151 = arith.select %broadcast_in_dim3A_149, %max3A_133, %broadcast_in_dim3A_150 : vector<128x64xi1>, vector<128x64xf32>
    %get3A_152 = arith.index_cast %min3A_42 : i32 to index
    %get3A_153 = arith.constant 0 : index
    %get3A_154 = arith.constant 0 : index
    %get3A_155 = vector.load %arg7[%get3A_152, %get3A_153, %get3A_154] : memref<64x64x768xf32, #tpu.memory_space<vmem>>, vector<1x64x768xf32>
    %get3A_156 = vector.shape_cast %get3A_155 : vector<1x64x768xf32> to vector<64x768xf32>
    %dot_general3A_157 = arith.constant dense<0.000000e+00> : vector<128x768xf32>
    %dot_general3A_158 = tpu.matmul %select_n3A_151, %get3A_156, %dot_general3A_157 {dimension_numbers = #tpu.dot_dimension_numbers<[1], [0], [0], [1], [0, 0, 1, 1], [], []>, transpose_lhs_hint = false} : vector<128x64xf32>, vector<64x768xf32>, vector<128x768xf32> -> vector<128x768xf32>
    %add3A_159 = arith.addf %add3A_127, %dot_general3A_158 : vector<128x768xf32>
    %add3A_160 = arith.constant 2 : i32
    %add3A_161 = arith.addi %get3A_27, %add3A_160 : i32
    %le3A_162 = arith.cmpi sle, %add3A_161, %get3A_31 : i32
    %max3A_163 = arith.constant 0.000000e+00 : f32
    %max3A_164 = vector.broadcast %max3A_163 : f32 to vector<128x64xf32>
    %max3A_165 = arith.maximumf %dot_general3A_79, %max3A_164 : vector<128x64xf32>
    %get3A_166 = arith.index_cast %min3A_46 : i32 to index
    %get3A_167 = memref.load %arg1[%get3A_166] : memref<128xi32, #tpu.memory_space<smem>>
    %ge3A_168 = vector.broadcast %get3A_167 : i32 to vector<128x1xi32>
    %ge3A_169 = arith.cmpi sge, %add3A_35, %ge3A_168 : vector<128x1xi32>
    %add3A_170 = arith.constant 1 : i32
    %add3A_171 = arith.addi %min3A_46, %add3A_170 : i32
    %get3A_172 = arith.index_cast %add3A_171 : i32 to index
    %get3A_173 = memref.load %arg1[%get3A_172] : memref<128xi32, #tpu.memory_space<smem>>
    %lt3A_174 = vector.broadcast %get3A_173 : i32 to vector<128x1xi32>
    %lt3A_175 = arith.cmpi slt, %add3A_35, %lt3A_174 : vector<128x1xi32>
    %and3A_176 = arith.andi %ge3A_169, %lt3A_175 : vector<128x1xi1>
    %and3A_177 = vector.broadcast %le3A_162 : i1 to vector<128x1xi1>
    %and3A_178 = arith.andi %and3A_176, %and3A_177 : vector<128x1xi1>
    %jit3A_179 = arith.constant 0.000000e+00 : f32
    %broadcast_in_dim3A_180 = vector.shape_cast %and3A_178 : vector<128x1xi1> to vector<128x1xi1>
    %broadcast_in_dim3A_181 = vector.broadcast %broadcast_in_dim3A_180 : vector<128x1xi1> to vector<128x64xi1>
    %broadcast_in_dim3A_182 = vector.broadcast %jit3A_179 : f32 to vector<128x64xf32>
    %select_n3A_183 = arith.select %broadcast_in_dim3A_181, %max3A_165, %broadcast_in_dim3A_182 : vector<128x64xi1>, vector<128x64xf32>
    %get3A_184 = arith.index_cast %min3A_46 : i32 to index
    %get3A_185 = arith.constant 0 : index
    %get3A_186 = arith.constant 0 : index
    %get3A_187 = vector.load %arg7[%get3A_184, %get3A_185, %get3A_186] : memref<64x64x768xf32, #tpu.memory_space<vmem>>, vector<1x64x768xf32>
    %get3A_188 = vector.shape_cast %get3A_187 : vector<1x64x768xf32> to vector<64x768xf32>
    %dot_general3A_189 = arith.constant dense<0.000000e+00> : vector<128x768xf32>
    %dot_general3A_190 = tpu.matmul %select_n3A_183, %get3A_188, %dot_general3A_189 {dimension_numbers = #tpu.dot_dimension_numbers<[1], [0], [0], [1], [0, 0, 1, 1], [], []>, transpose_lhs_hint = false} : vector<128x64xf32>, vector<64x768xf32>, vector<128x768xf32> -> vector<128x768xf32>
    %add3A_191 = arith.addf %add3A_159, %dot_general3A_190 : vector<128x768xf32>
    %add3A_192 = arith.constant 3 : i32
    %add3A_193 = arith.addi %get3A_27, %add3A_192 : i32
    %le3A_194 = arith.cmpi sle, %add3A_193, %get3A_31 : i32
    %max3A_195 = arith.constant 0.000000e+00 : f32
    %max3A_196 = vector.broadcast %max3A_195 : f32 to vector<128x64xf32>
    %max3A_197 = arith.maximumf %dot_general3A_86, %max3A_196 : vector<128x64xf32>
    %get3A_198 = arith.index_cast %min3A_50 : i32 to index
    %get3A_199 = memref.load %arg1[%get3A_198] : memref<128xi32, #tpu.memory_space<smem>>
    %ge3A_200 = vector.broadcast %get3A_199 : i32 to vector<128x1xi32>
    %ge3A_201 = arith.cmpi sge, %add3A_35, %ge3A_200 : vector<128x1xi32>
    %add3A_202 = arith.constant 1 : i32
    %add3A_203 = arith.addi %min3A_50, %add3A_202 : i32
    %get3A_204 = arith.index_cast %add3A_203 : i32 to index
    %get3A_205 = memref.load %arg1[%get3A_204] : memref<128xi32, #tpu.memory_space<smem>>
    %lt3A_206 = vector.broadcast %get3A_205 : i32 to vector<128x1xi32>
    %lt3A_207 = arith.cmpi slt, %add3A_35, %lt3A_206 : vector<128x1xi32>
    %and3A_208 = arith.andi %ge3A_201, %lt3A_207 : vector<128x1xi1>
    %and3A_209 = vector.broadcast %le3A_194 : i1 to vector<128x1xi1>
    %and3A_210 = arith.andi %and3A_208, %and3A_209 : vector<128x1xi1>
    %jit3A_211 = arith.constant 0.000000e+00 : f32
    %broadcast_in_dim3A_212 = vector.shape_cast %and3A_210 : vector<128x1xi1> to vector<128x1xi1>
    %broadcast_in_dim3A_213 = vector.broadcast %broadcast_in_dim3A_212 : vector<128x1xi1> to vector<128x64xi1>
    %broadcast_in_dim3A_214 = vector.broadcast %jit3A_211 : f32 to vector<128x64xf32>
    %select_n3A_215 = arith.select %broadcast_in_dim3A_213, %max3A_197, %broadcast_in_dim3A_214 : vector<128x64xi1>, vector<128x64xf32>
    %get3A_216 = arith.index_cast %min3A_50 : i32 to index
    %get3A_217 = arith.constant 0 : index
    %get3A_218 = arith.constant 0 : index
    %get3A_219 = vector.load %arg7[%get3A_216, %get3A_217, %get3A_218] : memref<64x64x768xf32, #tpu.memory_space<vmem>>, vector<1x64x768xf32>
    %get3A_220 = vector.shape_cast %get3A_219 : vector<1x64x768xf32> to vector<64x768xf32>
    %dot_general3A_221 = arith.constant dense<0.000000e+00> : vector<128x768xf32>
    %dot_general3A_222 = tpu.matmul %select_n3A_215, %get3A_220, %dot_general3A_221 {dimension_numbers = #tpu.dot_dimension_numbers<[1], [0], [0], [1], [0, 0, 1, 1], [], []>, transpose_lhs_hint = false} : vector<128x64xf32>, vector<64x768xf32>, vector<128x768xf32> -> vector<128x768xf32>
    %add3A_223 = arith.addf %add3A_191, %dot_general3A_222 : vector<128x768xf32>
    %add3A_224 = arith.constant 4 : i32
    %add3A_225 = arith.addi %get3A_27, %add3A_224 : i32
    %le3A_226 = arith.cmpi sle, %add3A_225, %get3A_31 : i32
    %max3A_227 = arith.constant 0.000000e+00 : f32
    %max3A_228 = vector.broadcast %max3A_227 : f32 to vector<128x64xf32>
    %max3A_229 = arith.maximumf %dot_general3A_93, %max3A_228 : vector<128x64xf32>
    %get3A_230 = arith.index_cast %min3A_54 : i32 to index
    %get3A_231 = memref.load %arg1[%get3A_230] : memref<128xi32, #tpu.memory_space<smem>>
    %ge3A_232 = vector.broadcast %get3A_231 : i32 to vector<128x1xi32>
    %ge3A_233 = arith.cmpi sge, %add3A_35, %ge3A_232 : vector<128x1xi32>
    %add3A_234 = arith.constant 1 : i32
    %add3A_235 = arith.addi %min3A_54, %add3A_234 : i32
    %get3A_236 = arith.index_cast %add3A_235 : i32 to index
    %get3A_237 = memref.load %arg1[%get3A_236] : memref<128xi32, #tpu.memory_space<smem>>
    %lt3A_238 = vector.broadcast %get3A_237 : i32 to vector<128x1xi32>
    %lt3A_239 = arith.cmpi slt, %add3A_35, %lt3A_238 : vector<128x1xi32>
    %and3A_240 = arith.andi %ge3A_233, %lt3A_239 : vector<128x1xi1>
    %and3A_241 = vector.broadcast %le3A_226 : i1 to vector<128x1xi1>
    %and3A_242 = arith.andi %and3A_240, %and3A_241 : vector<128x1xi1>
    %jit3A_243 = arith.constant 0.000000e+00 : f32
    %broadcast_in_dim3A_244 = vector.shape_cast %and3A_242 : vector<128x1xi1> to vector<128x1xi1>
    %broadcast_in_dim3A_245 = vector.broadcast %broadcast_in_dim3A_244 : vector<128x1xi1> to vector<128x64xi1>
    %broadcast_in_dim3A_246 = vector.broadcast %jit3A_243 : f32 to vector<128x64xf32>
    %select_n3A_247 = arith.select %broadcast_in_dim3A_245, %max3A_229, %broadcast_in_dim3A_246 : vector<128x64xi1>, vector<128x64xf32>
    %get3A_248 = arith.index_cast %min3A_54 : i32 to index
    %get3A_249 = arith.constant 0 : index
    %get3A_250 = arith.constant 0 : index
    %get3A_251 = vector.load %arg7[%get3A_248, %get3A_249, %get3A_250] : memref<64x64x768xf32, #tpu.memory_space<vmem>>, vector<1x64x768xf32>
    %get3A_252 = vector.shape_cast %get3A_251 : vector<1x64x768xf32> to vector<64x768xf32>
    %dot_general3A_253 = arith.constant dense<0.000000e+00> : vector<128x768xf32>
    %dot_general3A_254 = tpu.matmul %select_n3A_247, %get3A_252, %dot_general3A_253 {dimension_numbers = #tpu.dot_dimension_numbers<[1], [0], [0], [1], [0, 0, 1, 1], [], []>, transpose_lhs_hint = false} : vector<128x64xf32>, vector<64x768xf32>, vector<128x768xf32> -> vector<128x768xf32>
    %add3A_255 = arith.addf %add3A_223, %dot_general3A_254 : vector<128x768xf32>
    %add3A_256 = arith.constant 5 : i32
    %add3A_257 = arith.addi %get3A_27, %add3A_256 : i32
    %le3A_258 = arith.cmpi sle, %add3A_257, %get3A_31 : i32
    %max3A_259 = arith.constant 0.000000e+00 : f32
    %max3A_260 = vector.broadcast %max3A_259 : f32 to vector<128x64xf32>
    %max3A_261 = arith.maximumf %dot_general3A_100, %max3A_260 : vector<128x64xf32>
    %get3A_262 = arith.index_cast %min3A_58 : i32 to index
    %get3A_263 = memref.load %arg1[%get3A_262] : memref<128xi32, #tpu.memory_space<smem>>
    %ge3A_264 = vector.broadcast %get3A_263 : i32 to vector<128x1xi32>
    %ge3A_265 = arith.cmpi sge, %add3A_35, %ge3A_264 : vector<128x1xi32>
    %add3A_266 = arith.constant 1 : i32
    %add3A_267 = arith.addi %min3A_58, %add3A_266 : i32
    %get3A_268 = arith.index_cast %add3A_267 : i32 to index
    %get3A_269 = memref.load %arg1[%get3A_268] : memref<128xi32, #tpu.memory_space<smem>>
    %lt3A_270 = vector.broadcast %get3A_269 : i32 to vector<128x1xi32>
    %lt3A_271 = arith.cmpi slt, %add3A_35, %lt3A_270 : vector<128x1xi32>
    %and3A_272 = arith.andi %ge3A_265, %lt3A_271 : vector<128x1xi1>
    %and3A_273 = vector.broadcast %le3A_258 : i1 to vector<128x1xi1>
    %and3A_274 = arith.andi %and3A_272, %and3A_273 : vector<128x1xi1>
    %jit3A_275 = arith.constant 0.000000e+00 : f32
    %broadcast_in_dim3A_276 = vector.shape_cast %and3A_274 : vector<128x1xi1> to vector<128x1xi1>
    %broadcast_in_dim3A_277 = vector.broadcast %broadcast_in_dim3A_276 : vector<128x1xi1> to vector<128x64xi1>
    %broadcast_in_dim3A_278 = vector.broadcast %jit3A_275 : f32 to vector<128x64xf32>
    %select_n3A_279 = arith.select %broadcast_in_dim3A_277, %max3A_261, %broadcast_in_dim3A_278 : vector<128x64xi1>, vector<128x64xf32>
    %get3A_280 = arith.index_cast %min3A_58 : i32 to index
    %get3A_281 = arith.constant 0 : index
    %get3A_282 = arith.constant 0 : index
    %get3A_283 = vector.load %arg7[%get3A_280, %get3A_281, %get3A_282] : memref<64x64x768xf32, #tpu.memory_space<vmem>>, vector<1x64x768xf32>
    %get3A_284 = vector.shape_cast %get3A_283 : vector<1x64x768xf32> to vector<64x768xf32>
    %dot_general3A_285 = arith.constant dense<0.000000e+00> : vector<128x768xf32>
    %dot_general3A_286 = tpu.matmul %select_n3A_279, %get3A_284, %dot_general3A_285 {dimension_numbers = #tpu.dot_dimension_numbers<[1], [0], [0], [1], [0, 0, 1, 1], [], []>, transpose_lhs_hint = false} : vector<128x64xf32>, vector<64x768xf32>, vector<128x768xf32> -> vector<128x768xf32>
    %add3A_287 = arith.addf %add3A_255, %dot_general3A_286 : vector<128x768xf32>
    %sub3A_288 = arith.subi %get3A_31, %get3A_27 : i32
    %add3A_289 = arith.constant 1 : i32
    %add3A_290 = arith.addi %sub3A_288, %add3A_289 : i32
    %while3A = arith.constant 6 : i32
    %while3A_291 = arith.subi %add3A_290, %while3A : i32
    %while3A_292 = arith.addi %while3A, %while3A_291 : i32
    %while3A_293 = arith.constant 1 : i32
    %while3A_294 = arith.divsi %while3A_291, %while3A_293 : i32
    %while3A_295 = arith.muli %while3A_294, %while3A_293 : i32
    %while3A_296 = arith.addi %while3A, %while3A_295 : i32
    %while3A_297 = arith.constant 1 : i32
    %while3A_298 = scf.for %while3A_614 = %while3A to %while3A_296 step %while3A_297 iter_args(%while3A_615 = %add3A_287) -> (vector<128x768xf32>)  : i32 {
      %add3A_616 = arith.addi %get3A_27, %while3A_614 : i32
      %add3A_617 = arith.addi %get3A_27, %while3A_614 : i32
      %get3A_618 = arith.index_cast %add3A_617 : i32 to index
      %get3A_619 = arith.constant 0 : index
      %get3A_620 = arith.constant 0 : index
      %get3A_621 = vector.load %arg6[%get3A_618, %get3A_619, %get3A_620] : memref<64x64x768xf32, #tpu.memory_space<vmem>>, vector<1x64x768xf32>
      %get3A_622 = vector.shape_cast %get3A_621 : vector<1x64x768xf32> to vector<64x768xf32>
      %dot_general3A_623 = arith.constant dense<0.000000e+00> : vector<128x64xf32>
      %dot_general3A_624 = tpu.matmul %slice3A, %get3A_622, %dot_general3A_623 {dimension_numbers = #tpu.dot_dimension_numbers<[1], [1], [0], [0], [0, 0, 1, 0], [], []>, transpose_lhs_hint = false} : vector<128x768xf32>, vector<64x768xf32>, vector<128x64xf32> -> vector<128x64xf32>
      %max3A_625 = arith.constant 0.000000e+00 : f32
      %max3A_626 = vector.broadcast %max3A_625 : f32 to vector<128x64xf32>
      %max3A_627 = arith.maximumf %dot_general3A_624, %max3A_626 : vector<128x64xf32>
      %get3A_628 = arith.index_cast %add3A_616 : i32 to index
      %get3A_629 = memref.load %arg1[%get3A_628] : memref<128xi32, #tpu.memory_space<smem>>
      %ge3A_630 = vector.broadcast %get3A_629 : i32 to vector<128x1xi32>
      %ge3A_631 = arith.cmpi sge, %add3A_35, %ge3A_630 : vector<128x1xi32>
      %add3A_632 = arith.constant 1 : i32
      %add3A_633 = arith.addi %add3A_616, %add3A_632 : i32
      %get3A_634 = arith.index_cast %add3A_633 : i32 to index
      %get3A_635 = memref.load %arg1[%get3A_634] : memref<128xi32, #tpu.memory_space<smem>>
      %lt3A_636 = vector.broadcast %get3A_635 : i32 to vector<128x1xi32>
      %lt3A_637 = arith.cmpi slt, %add3A_35, %lt3A_636 : vector<128x1xi32>
      %and3A_638 = arith.andi %ge3A_631, %lt3A_637 : vector<128x1xi1>
      %and3A_639 = arith.constant true
      %and3A_640 = vector.broadcast %and3A_639 : i1 to vector<128x1xi1>
      %and3A_641 = arith.andi %and3A_638, %and3A_640 : vector<128x1xi1>
      %jit3A_642 = arith.constant 0.000000e+00 : f32
      %broadcast_in_dim3A_643 = vector.shape_cast %and3A_641 : vector<128x1xi1> to vector<128x1xi1>
      %broadcast_in_dim3A_644 = vector.broadcast %broadcast_in_dim3A_643 : vector<128x1xi1> to vector<128x64xi1>
      %broadcast_in_dim3A_645 = vector.broadcast %jit3A_642 : f32 to vector<128x64xf32>
      %select_n3A_646 = arith.select %broadcast_in_dim3A_644, %max3A_627, %broadcast_in_dim3A_645 : vector<128x64xi1>, vector<128x64xf32>
      %get3A_647 = arith.index_cast %add3A_616 : i32 to index
      %get3A_648 = arith.constant 0 : index
      %get3A_649 = arith.constant 0 : index
      %get3A_650 = vector.load %arg7[%get3A_647, %get3A_648, %get3A_649] : memref<64x64x768xf32, #tpu.memory_space<vmem>>, vector<1x64x768xf32>
      %get3A_651 = vector.shape_cast %get3A_650 : vector<1x64x768xf32> to vector<64x768xf32>
      %dot_general3A_652 = arith.constant dense<0.000000e+00> : vector<128x768xf32>
      %dot_general3A_653 = tpu.matmul %select_n3A_646, %get3A_651, %dot_general3A_652 {dimension_numbers = #tpu.dot_dimension_numbers<[1], [0], [0], [1], [0, 0, 1, 1], [], []>, transpose_lhs_hint = false} : vector<128x64xf32>, vector<64x768xf32>, vector<128x768xf32> -> vector<128x768xf32>
      %add3A_654 = arith.addf %while3A_615, %dot_general3A_653 : vector<128x768xf32>
      scf.yield %add3A_654 : vector<128x768xf32>
    }
    %while3A_299 = arith.constant 1 : i32
    %while3A_300 = scf.for %while3A_614 = %while3A_296 to %while3A_292 step %while3A_299 iter_args(%while3A_615 = %while3A_298) -> (vector<128x768xf32>)  : i32 {
      %add3A_616 = arith.addi %get3A_27, %while3A_614 : i32
      %add3A_617 = arith.addi %get3A_27, %while3A_614 : i32
      %get3A_618 = arith.index_cast %add3A_617 : i32 to index
      %get3A_619 = arith.constant 0 : index
      %get3A_620 = arith.constant 0 : index
      %get3A_621 = vector.load %arg6[%get3A_618, %get3A_619, %get3A_620] : memref<64x64x768xf32, #tpu.memory_space<vmem>>, vector<1x64x768xf32>
      %get3A_622 = vector.shape_cast %get3A_621 : vector<1x64x768xf32> to vector<64x768xf32>
      %dot_general3A_623 = arith.constant dense<0.000000e+00> : vector<128x64xf32>
      %dot_general3A_624 = tpu.matmul %slice3A, %get3A_622, %dot_general3A_623 {dimension_numbers = #tpu.dot_dimension_numbers<[1], [1], [0], [0], [0, 0, 1, 0], [], []>, transpose_lhs_hint = false} : vector<128x768xf32>, vector<64x768xf32>, vector<128x64xf32> -> vector<128x64xf32>
      %max3A_625 = arith.constant 0.000000e+00 : f32
      %max3A_626 = vector.broadcast %max3A_625 : f32 to vector<128x64xf32>
      %max3A_627 = arith.maximumf %dot_general3A_624, %max3A_626 : vector<128x64xf32>
      %get3A_628 = arith.index_cast %add3A_616 : i32 to index
      %get3A_629 = memref.load %arg1[%get3A_628] : memref<128xi32, #tpu.memory_space<smem>>
      %ge3A_630 = vector.broadcast %get3A_629 : i32 to vector<128x1xi32>
      %ge3A_631 = arith.cmpi sge, %add3A_35, %ge3A_630 : vector<128x1xi32>
      %add3A_632 = arith.constant 1 : i32
      %add3A_633 = arith.addi %add3A_616, %add3A_632 : i32
      %get3A_634 = arith.index_cast %add3A_633 : i32 to index
      %get3A_635 = memref.load %arg1[%get3A_634] : memref<128xi32, #tpu.memory_space<smem>>
      %lt3A_636 = vector.broadcast %get3A_635 : i32 to vector<128x1xi32>
      %lt3A_637 = arith.cmpi slt, %add3A_35, %lt3A_636 : vector<128x1xi32>
      %and3A_638 = arith.andi %ge3A_631, %lt3A_637 : vector<128x1xi1>
      %and3A_639 = arith.constant true
      %and3A_640 = vector.broadcast %and3A_639 : i1 to vector<128x1xi1>
      %and3A_641 = arith.andi %and3A_638, %and3A_640 : vector<128x1xi1>
      %jit3A_642 = arith.constant 0.000000e+00 : f32
      %broadcast_in_dim3A_643 = vector.shape_cast %and3A_641 : vector<128x1xi1> to vector<128x1xi1>
      %broadcast_in_dim3A_644 = vector.broadcast %broadcast_in_dim3A_643 : vector<128x1xi1> to vector<128x64xi1>
      %broadcast_in_dim3A_645 = vector.broadcast %jit3A_642 : f32 to vector<128x64xf32>
      %select_n3A_646 = arith.select %broadcast_in_dim3A_644, %max3A_627, %broadcast_in_dim3A_645 : vector<128x64xi1>, vector<128x64xf32>
      %get3A_647 = arith.index_cast %add3A_616 : i32 to index
      %get3A_648 = arith.constant 0 : index
      %get3A_649 = arith.constant 0 : index
      %get3A_650 = vector.load %arg7[%get3A_647, %get3A_648, %get3A_649] : memref<64x64x768xf32, #tpu.memory_space<vmem>>, vector<1x64x768xf32>
      %get3A_651 = vector.shape_cast %get3A_650 : vector<1x64x768xf32> to vector<64x768xf32>
      %dot_general3A_652 = arith.constant dense<0.000000e+00> : vector<128x768xf32>
      %dot_general3A_653 = tpu.matmul %select_n3A_646, %get3A_651, %dot_general3A_652 {dimension_numbers = #tpu.dot_dimension_numbers<[1], [0], [0], [1], [0, 0, 1, 1], [], []>, transpose_lhs_hint = false} : vector<128x64xf32>, vector<64x768xf32>, vector<128x768xf32> -> vector<128x768xf32>
      %add3A_654 = arith.addf %while3A_615, %dot_general3A_653 : vector<128x768xf32>
      scf.yield %add3A_654 : vector<128x768xf32>
    }
    %slice3A_301 = vector.extract_strided_slice %div3A_21 {offsets = [0, 0], sizes = [128, 1], strides = [1, 1]} : vector<256x1xf32> to vector<128x1xf32>
    %mul3A_302 = vector.broadcast %slice3A_301 : vector<128x1xf32> to vector<128x768xf32>
    %mul3A_303 = arith.mulf %mul3A_302, %while3A_300 : vector<128x768xf32>
    %get3A_304 = arith.constant 0 : index
    %get3A_305 = arith.constant 0 : index
    %get3A_306 = vector.load %arg3[%get3A_304, %get3A_305] : memref<1x768xf32, #tpu.memory_space<vmem>>, vector<1x768xf32>
    %add3A_307 = vector.broadcast %get3A_306 : vector<1x768xf32> to vector<128x768xf32>
    %add3A_308 = arith.addf %mul3A_303, %add3A_307 : vector<128x768xf32>
    %swap3A = arith.constant 0 : index
    %swap3A_309 = arith.constant 0 : index
    %swap3A_310 = vector.load %arg8[%swap3A, %swap3A_309] : memref<256x768xf32, #tpu.memory_space<vmem>>, vector<128x768xf32>
    tpu.vector_store %arg8[%swap3A, %swap3A_309], %add3A_308 {strides = array<i32>} : memref<256x768xf32, #tpu.memory_space<vmem>>, vector<128x768xf32>,
    %mul3A_311 = arith.constant 2 : i32
    %mul3A_312 = arith.muli %arg0, %mul3A_311 : i32
    %add3A_313 = arith.constant 1 : i32
    %add3A_314 = arith.addi %mul3A_312, %add3A_313 : i32
    %add3A_315 = arith.constant 96 : i32
    %add3A_316 = arith.addi %add3A_315, %add3A_314 : i32
    %get3A_317 = arith.index_cast %add3A_316 : i32 to index
    %get3A_318 = memref.load %arg1[%get3A_317] : memref<128xi32, #tpu.memory_space<smem>>
    %add3A_319 = arith.constant 112 : i32
    %add3A_320 = arith.addi %add3A_319, %add3A_314 : i32
    %get3A_321 = arith.index_cast %add3A_320 : i32 to index
    %get3A_322 = memref.load %arg1[%get3A_321] : memref<128xi32, #tpu.memory_space<smem>>
    %slice3A_323 = vector.extract_strided_slice %sub3A_5 {offsets = [128, 0], sizes = [128, 768], strides = [1, 1]} : vector<256x768xf32> to vector<128x768xf32>
    %iota3A_324 = tpu.iota {dimensions = array<i32: 0>} : vector<128x1xi32>
    %mul3A_325 = arith.constant 128 : i32
    %mul3A_326 = arith.muli %add3A_314, %mul3A_325 : i32
    %add3A_327 = vector.broadcast %mul3A_326 : i32 to vector<128x1xi32>
    %add3A_328 = arith.addi %iota3A_324, %add3A_327 : vector<128x1xi32>
    %add3A_329 = arith.constant 0 : i32
    %add3A_330 = arith.addi %get3A_318, %add3A_329 : i32
    %min3A_331 = arith.constant 63 : i32
    %min3A_332 = arith.minsi %add3A_330, %min3A_331 : i32
    %add3A_333 = arith.constant 1 : i32
    %add3A_334 = arith.addi %get3A_318, %add3A_333 : i32
    %min3A_335 = arith.constant 63 : i32
    %min3A_336 = arith.minsi %add3A_334, %min3A_335 : i32
    %add3A_337 = arith.constant 2 : i32
    %add3A_338 = arith.addi %get3A_318, %add3A_337 : i32
    %min3A_339 = arith.constant 63 : i32
    %min3A_340 = arith.minsi %add3A_338, %min3A_339 : i32
    %add3A_341 = arith.constant 3 : i32
    %add3A_342 = arith.addi %get3A_318, %add3A_341 : i32
    %min3A_343 = arith.constant 63 : i32
    %min3A_344 = arith.minsi %add3A_342, %min3A_343 : i32
    %add3A_345 = arith.constant 4 : i32
    %add3A_346 = arith.addi %get3A_318, %add3A_345 : i32
    %min3A_347 = arith.constant 63 : i32
    %min3A_348 = arith.minsi %add3A_346, %min3A_347 : i32
    %add3A_349 = arith.constant 5 : i32
    %add3A_350 = arith.addi %get3A_318, %add3A_349 : i32
    %min3A_351 = arith.constant 63 : i32
    %min3A_352 = arith.minsi %add3A_350, %min3A_351 : i32
    %get3A_353 = arith.index_cast %min3A_332 : i32 to index
    %get3A_354 = arith.constant 0 : index
    %get3A_355 = arith.constant 0 : index
    %get3A_356 = vector.load %arg6[%get3A_353, %get3A_354, %get3A_355] : memref<64x64x768xf32, #tpu.memory_space<vmem>>, vector<1x64x768xf32>
    %get3A_357 = vector.shape_cast %get3A_356 : vector<1x64x768xf32> to vector<64x768xf32>
    %dot_general3A_358 = arith.constant dense<0.000000e+00> : vector<128x64xf32>
    %dot_general3A_359 = tpu.matmul %slice3A_323, %get3A_357, %dot_general3A_358 {dimension_numbers = #tpu.dot_dimension_numbers<[1], [1], [0], [0], [0, 0, 1, 0], [], []>, transpose_lhs_hint = false} : vector<128x768xf32>, vector<64x768xf32>, vector<128x64xf32> -> vector<128x64xf32>
    %get3A_360 = arith.index_cast %min3A_336 : i32 to index
    %get3A_361 = arith.constant 0 : index
    %get3A_362 = arith.constant 0 : index
    %get3A_363 = vector.load %arg6[%get3A_360, %get3A_361, %get3A_362] : memref<64x64x768xf32, #tpu.memory_space<vmem>>, vector<1x64x768xf32>
    %get3A_364 = vector.shape_cast %get3A_363 : vector<1x64x768xf32> to vector<64x768xf32>
    %dot_general3A_365 = arith.constant dense<0.000000e+00> : vector<128x64xf32>
    %dot_general3A_366 = tpu.matmul %slice3A_323, %get3A_364, %dot_general3A_365 {dimension_numbers = #tpu.dot_dimension_numbers<[1], [1], [0], [0], [0, 0, 1, 0], [], []>, transpose_lhs_hint = false} : vector<128x768xf32>, vector<64x768xf32>, vector<128x64xf32> -> vector<128x64xf32>
    %get3A_367 = arith.index_cast %min3A_340 : i32 to index
    %get3A_368 = arith.constant 0 : index
    %get3A_369 = arith.constant 0 : index
    %get3A_370 = vector.load %arg6[%get3A_367, %get3A_368, %get3A_369] : memref<64x64x768xf32, #tpu.memory_space<vmem>>, vector<1x64x768xf32>
    %get3A_371 = vector.shape_cast %get3A_370 : vector<1x64x768xf32> to vector<64x768xf32>
    %dot_general3A_372 = arith.constant dense<0.000000e+00> : vector<128x64xf32>
    %dot_general3A_373 = tpu.matmul %slice3A_323, %get3A_371, %dot_general3A_372 {dimension_numbers = #tpu.dot_dimension_numbers<[1], [1], [0], [0], [0, 0, 1, 0], [], []>, transpose_lhs_hint = false} : vector<128x768xf32>, vector<64x768xf32>, vector<128x64xf32> -> vector<128x64xf32>
    %get3A_374 = arith.index_cast %min3A_344 : i32 to index
    %get3A_375 = arith.constant 0 : index
    %get3A_376 = arith.constant 0 : index
    %get3A_377 = vector.load %arg6[%get3A_374, %get3A_375, %get3A_376] : memref<64x64x768xf32, #tpu.memory_space<vmem>>, vector<1x64x768xf32>
    %get3A_378 = vector.shape_cast %get3A_377 : vector<1x64x768xf32> to vector<64x768xf32>
    %dot_general3A_379 = arith.constant dense<0.000000e+00> : vector<128x64xf32>
    %dot_general3A_380 = tpu.matmul %slice3A_323, %get3A_378, %dot_general3A_379 {dimension_numbers = #tpu.dot_dimension_numbers<[1], [1], [0], [0], [0, 0, 1, 0], [], []>, transpose_lhs_hint = false} : vector<128x768xf32>, vector<64x768xf32>, vector<128x64xf32> -> vector<128x64xf32>
    %get3A_381 = arith.index_cast %min3A_348 : i32 to index
    %get3A_382 = arith.constant 0 : index
    %get3A_383 = arith.constant 0 : index
    %get3A_384 = vector.load %arg6[%get3A_381, %get3A_382, %get3A_383] : memref<64x64x768xf32, #tpu.memory_space<vmem>>, vector<1x64x768xf32>
    %get3A_385 = vector.shape_cast %get3A_384 : vector<1x64x768xf32> to vector<64x768xf32>
    %dot_general3A_386 = arith.constant dense<0.000000e+00> : vector<128x64xf32>
    %dot_general3A_387 = tpu.matmul %slice3A_323, %get3A_385, %dot_general3A_386 {dimension_numbers = #tpu.dot_dimension_numbers<[1], [1], [0], [0], [0, 0, 1, 0], [], []>, transpose_lhs_hint = false} : vector<128x768xf32>, vector<64x768xf32>, vector<128x64xf32> -> vector<128x64xf32>
    %get3A_388 = arith.index_cast %min3A_352 : i32 to index
    %get3A_389 = arith.constant 0 : index
    %get3A_390 = arith.constant 0 : index
    %get3A_391 = vector.load %arg6[%get3A_388, %get3A_389, %get3A_390] : memref<64x64x768xf32, #tpu.memory_space<vmem>>, vector<1x64x768xf32>
    %get3A_392 = vector.shape_cast %get3A_391 : vector<1x64x768xf32> to vector<64x768xf32>
    %dot_general3A_393 = arith.constant dense<0.000000e+00> : vector<128x64xf32>
    %dot_general3A_394 = tpu.matmul %slice3A_323, %get3A_392, %dot_general3A_393 {dimension_numbers = #tpu.dot_dimension_numbers<[1], [1], [0], [0], [0, 0, 1, 0], [], []>, transpose_lhs_hint = false} : vector<128x768xf32>, vector<64x768xf32>, vector<128x64xf32> -> vector<128x64xf32>
    %broadcast_in_dim3A_395 = arith.constant 0.000000e+00 : f32
    %broadcast_in_dim3A_396 = vector.broadcast %broadcast_in_dim3A_395 : f32 to vector<128x768xf32>
    %add3A_397 = arith.constant 0 : i32
    %add3A_398 = arith.addi %get3A_318, %add3A_397 : i32
    %le3A_399 = arith.cmpi sle, %add3A_398, %get3A_322 : i32
    %max3A_400 = arith.constant 0.000000e+00 : f32
    %max3A_401 = vector.broadcast %max3A_400 : f32 to vector<128x64xf32>
    %max3A_402 = arith.maximumf %dot_general3A_359, %max3A_401 : vector<128x64xf32>
    %get3A_403 = arith.index_cast %min3A_332 : i32 to index
    %get3A_404 = memref.load %arg1[%get3A_403] : memref<128xi32, #tpu.memory_space<smem>>
    %ge3A_405 = vector.broadcast %get3A_404 : i32 to vector<128x1xi32>
    %ge3A_406 = arith.cmpi sge, %add3A_328, %ge3A_405 : vector<128x1xi32>
    %add3A_407 = arith.constant 1 : i32
    %add3A_408 = arith.addi %min3A_332, %add3A_407 : i32
    %get3A_409 = arith.index_cast %add3A_408 : i32 to index
    %get3A_410 = memref.load %arg1[%get3A_409] : memref<128xi32, #tpu.memory_space<smem>>
    %lt3A_411 = vector.broadcast %get3A_410 : i32 to vector<128x1xi32>
    %lt3A_412 = arith.cmpi slt, %add3A_328, %lt3A_411 : vector<128x1xi32>
    %and3A_413 = arith.andi %ge3A_406, %lt3A_412 : vector<128x1xi1>
    %and3A_414 = vector.broadcast %le3A_399 : i1 to vector<128x1xi1>
    %and3A_415 = arith.andi %and3A_413, %and3A_414 : vector<128x1xi1>
    %jit3A_416 = arith.constant 0.000000e+00 : f32
    %broadcast_in_dim3A_417 = vector.shape_cast %and3A_415 : vector<128x1xi1> to vector<128x1xi1>
    %broadcast_in_dim3A_418 = vector.broadcast %broadcast_in_dim3A_417 : vector<128x1xi1> to vector<128x64xi1>
    %broadcast_in_dim3A_419 = vector.broadcast %jit3A_416 : f32 to vector<128x64xf32>
    %select_n3A_420 = arith.select %broadcast_in_dim3A_418, %max3A_402, %broadcast_in_dim3A_419 : vector<128x64xi1>, vector<128x64xf32>
    %get3A_421 = arith.index_cast %min3A_332 : i32 to index
    %get3A_422 = arith.constant 0 : index
    %get3A_423 = arith.constant 0 : index
    %get3A_424 = vector.load %arg7[%get3A_421, %get3A_422, %get3A_423] : memref<64x64x768xf32, #tpu.memory_space<vmem>>, vector<1x64x768xf32>
    %get3A_425 = vector.shape_cast %get3A_424 : vector<1x64x768xf32> to vector<64x768xf32>
    %dot_general3A_426 = arith.constant dense<0.000000e+00> : vector<128x768xf32>
    %dot_general3A_427 = tpu.matmul %select_n3A_420, %get3A_425, %dot_general3A_426 {dimension_numbers = #tpu.dot_dimension_numbers<[1], [0], [0], [1], [0, 0, 1, 1], [], []>, transpose_lhs_hint = false} : vector<128x64xf32>, vector<64x768xf32>, vector<128x768xf32> -> vector<128x768xf32>
    %add3A_428 = arith.addf %broadcast_in_dim3A_396, %dot_general3A_427 : vector<128x768xf32>
    %add3A_429 = arith.constant 1 : i32
    %add3A_430 = arith.addi %get3A_318, %add3A_429 : i32
    %le3A_431 = arith.cmpi sle, %add3A_430, %get3A_322 : i32
    %max3A_432 = arith.constant 0.000000e+00 : f32
    %max3A_433 = vector.broadcast %max3A_432 : f32 to vector<128x64xf32>
    %max3A_434 = arith.maximumf %dot_general3A_366, %max3A_433 : vector<128x64xf32>
    %get3A_435 = arith.index_cast %min3A_336 : i32 to index
    %get3A_436 = memref.load %arg1[%get3A_435] : memref<128xi32, #tpu.memory_space<smem>>
    %ge3A_437 = vector.broadcast %get3A_436 : i32 to vector<128x1xi32>
    %ge3A_438 = arith.cmpi sge, %add3A_328, %ge3A_437 : vector<128x1xi32>
    %add3A_439 = arith.constant 1 : i32
    %add3A_440 = arith.addi %min3A_336, %add3A_439 : i32
    %get3A_441 = arith.index_cast %add3A_440 : i32 to index
    %get3A_442 = memref.load %arg1[%get3A_441] : memref<128xi32, #tpu.memory_space<smem>>
    %lt3A_443 = vector.broadcast %get3A_442 : i32 to vector<128x1xi32>
    %lt3A_444 = arith.cmpi slt, %add3A_328, %lt3A_443 : vector<128x1xi32>
    %and3A_445 = arith.andi %ge3A_438, %lt3A_444 : vector<128x1xi1>
    %and3A_446 = vector.broadcast %le3A_431 : i1 to vector<128x1xi1>
    %and3A_447 = arith.andi %and3A_445, %and3A_446 : vector<128x1xi1>
    %jit3A_448 = arith.constant 0.000000e+00 : f32
    %broadcast_in_dim3A_449 = vector.shape_cast %and3A_447 : vector<128x1xi1> to vector<128x1xi1>
    %broadcast_in_dim3A_450 = vector.broadcast %broadcast_in_dim3A_449 : vector<128x1xi1> to vector<128x64xi1>
    %broadcast_in_dim3A_451 = vector.broadcast %jit3A_448 : f32 to vector<128x64xf32>
    %select_n3A_452 = arith.select %broadcast_in_dim3A_450, %max3A_434, %broadcast_in_dim3A_451 : vector<128x64xi1>, vector<128x64xf32>
    %get3A_453 = arith.index_cast %min3A_336 : i32 to index
    %get3A_454 = arith.constant 0 : index
    %get3A_455 = arith.constant 0 : index
    %get3A_456 = vector.load %arg7[%get3A_453, %get3A_454, %get3A_455] : memref<64x64x768xf32, #tpu.memory_space<vmem>>, vector<1x64x768xf32>
    %get3A_457 = vector.shape_cast %get3A_456 : vector<1x64x768xf32> to vector<64x768xf32>
    %dot_general3A_458 = arith.constant dense<0.000000e+00> : vector<128x768xf32>
    %dot_general3A_459 = tpu.matmul %select_n3A_452, %get3A_457, %dot_general3A_458 {dimension_numbers = #tpu.dot_dimension_numbers<[1], [0], [0], [1], [0, 0, 1, 1], [], []>, transpose_lhs_hint = false} : vector<128x64xf32>, vector<64x768xf32>, vector<128x768xf32> -> vector<128x768xf32>
    %add3A_460 = arith.addf %add3A_428, %dot_general3A_459 : vector<128x768xf32>
    %add3A_461 = arith.constant 2 : i32
    %add3A_462 = arith.addi %get3A_318, %add3A_461 : i32
    %le3A_463 = arith.cmpi sle, %add3A_462, %get3A_322 : i32
    %max3A_464 = arith.constant 0.000000e+00 : f32
    %max3A_465 = vector.broadcast %max3A_464 : f32 to vector<128x64xf32>
    %max3A_466 = arith.maximumf %dot_general3A_373, %max3A_465 : vector<128x64xf32>
    %get3A_467 = arith.index_cast %min3A_340 : i32 to index
    %get3A_468 = memref.load %arg1[%get3A_467] : memref<128xi32, #tpu.memory_space<smem>>
    %ge3A_469 = vector.broadcast %get3A_468 : i32 to vector<128x1xi32>
    %ge3A_470 = arith.cmpi sge, %add3A_328, %ge3A_469 : vector<128x1xi32>
    %add3A_471 = arith.constant 1 : i32
    %add3A_472 = arith.addi %min3A_340, %add3A_471 : i32
    %get3A_473 = arith.index_cast %add3A_472 : i32 to index
    %get3A_474 = memref.load %arg1[%get3A_473] : memref<128xi32, #tpu.memory_space<smem>>
    %lt3A_475 = vector.broadcast %get3A_474 : i32 to vector<128x1xi32>
    %lt3A_476 = arith.cmpi slt, %add3A_328, %lt3A_475 : vector<128x1xi32>
    %and3A_477 = arith.andi %ge3A_470, %lt3A_476 : vector<128x1xi1>
    %and3A_478 = vector.broadcast %le3A_463 : i1 to vector<128x1xi1>
    %and3A_479 = arith.andi %and3A_477, %and3A_478 : vector<128x1xi1>
    %jit3A_480 = arith.constant 0.000000e+00 : f32
    %broadcast_in_dim3A_481 = vector.shape_cast %and3A_479 : vector<128x1xi1> to vector<128x1xi1>
    %broadcast_in_dim3A_482 = vector.broadcast %broadcast_in_dim3A_481 : vector<128x1xi1> to vector<128x64xi1>
    %broadcast_in_dim3A_483 = vector.broadcast %jit3A_480 : f32 to vector<128x64xf32>
    %select_n3A_484 = arith.select %broadcast_in_dim3A_482, %max3A_466, %broadcast_in_dim3A_483 : vector<128x64xi1>, vector<128x64xf32>
    %get3A_485 = arith.index_cast %min3A_340 : i32 to index
    %get3A_486 = arith.constant 0 : index
    %get3A_487 = arith.constant 0 : index
    %get3A_488 = vector.load %arg7[%get3A_485, %get3A_486, %get3A_487] : memref<64x64x768xf32, #tpu.memory_space<vmem>>, vector<1x64x768xf32>
    %get3A_489 = vector.shape_cast %get3A_488 : vector<1x64x768xf32> to vector<64x768xf32>
    %dot_general3A_490 = arith.constant dense<0.000000e+00> : vector<128x768xf32>
    %dot_general3A_491 = tpu.matmul %select_n3A_484, %get3A_489, %dot_general3A_490 {dimension_numbers = #tpu.dot_dimension_numbers<[1], [0], [0], [1], [0, 0, 1, 1], [], []>, transpose_lhs_hint = false} : vector<128x64xf32>, vector<64x768xf32>, vector<128x768xf32> -> vector<128x768xf32>
    %add3A_492 = arith.addf %add3A_460, %dot_general3A_491 : vector<128x768xf32>
    %add3A_493 = arith.constant 3 : i32
    %add3A_494 = arith.addi %get3A_318, %add3A_493 : i32
    %le3A_495 = arith.cmpi sle, %add3A_494, %get3A_322 : i32
    %max3A_496 = arith.constant 0.000000e+00 : f32
    %max3A_497 = vector.broadcast %max3A_496 : f32 to vector<128x64xf32>
    %max3A_498 = arith.maximumf %dot_general3A_380, %max3A_497 : vector<128x64xf32>
    %get3A_499 = arith.index_cast %min3A_344 : i32 to index
    %get3A_500 = memref.load %arg1[%get3A_499] : memref<128xi32, #tpu.memory_space<smem>>
    %ge3A_501 = vector.broadcast %get3A_500 : i32 to vector<128x1xi32>
    %ge3A_502 = arith.cmpi sge, %add3A_328, %ge3A_501 : vector<128x1xi32>
    %add3A_503 = arith.constant 1 : i32
    %add3A_504 = arith.addi %min3A_344, %add3A_503 : i32
    %get3A_505 = arith.index_cast %add3A_504 : i32 to index
    %get3A_506 = memref.load %arg1[%get3A_505] : memref<128xi32, #tpu.memory_space<smem>>
    %lt3A_507 = vector.broadcast %get3A_506 : i32 to vector<128x1xi32>
    %lt3A_508 = arith.cmpi slt, %add3A_328, %lt3A_507 : vector<128x1xi32>
    %and3A_509 = arith.andi %ge3A_502, %lt3A_508 : vector<128x1xi1>
    %and3A_510 = vector.broadcast %le3A_495 : i1 to vector<128x1xi1>
    %and3A_511 = arith.andi %and3A_509, %and3A_510 : vector<128x1xi1>
    %jit3A_512 = arith.constant 0.000000e+00 : f32
    %broadcast_in_dim3A_513 = vector.shape_cast %and3A_511 : vector<128x1xi1> to vector<128x1xi1>
    %broadcast_in_dim3A_514 = vector.broadcast %broadcast_in_dim3A_513 : vector<128x1xi1> to vector<128x64xi1>
    %broadcast_in_dim3A_515 = vector.broadcast %jit3A_512 : f32 to vector<128x64xf32>
    %select_n3A_516 = arith.select %broadcast_in_dim3A_514, %max3A_498, %broadcast_in_dim3A_515 : vector<128x64xi1>, vector<128x64xf32>
    %get3A_517 = arith.index_cast %min3A_344 : i32 to index
    %get3A_518 = arith.constant 0 : index
    %get3A_519 = arith.constant 0 : index
    %get3A_520 = vector.load %arg7[%get3A_517, %get3A_518, %get3A_519] : memref<64x64x768xf32, #tpu.memory_space<vmem>>, vector<1x64x768xf32>
    %get3A_521 = vector.shape_cast %get3A_520 : vector<1x64x768xf32> to vector<64x768xf32>
    %dot_general3A_522 = arith.constant dense<0.000000e+00> : vector<128x768xf32>
    %dot_general3A_523 = tpu.matmul %select_n3A_516, %get3A_521, %dot_general3A_522 {dimension_numbers = #tpu.dot_dimension_numbers<[1], [0], [0], [1], [0, 0, 1, 1], [], []>, transpose_lhs_hint = false} : vector<128x64xf32>, vector<64x768xf32>, vector<128x768xf32> -> vector<128x768xf32>
    %add3A_524 = arith.addf %add3A_492, %dot_general3A_523 : vector<128x768xf32>
    %add3A_525 = arith.constant 4 : i32
    %add3A_526 = arith.addi %get3A_318, %add3A_525 : i32
    %le3A_527 = arith.cmpi sle, %add3A_526, %get3A_322 : i32
    %max3A_528 = arith.constant 0.000000e+00 : f32
    %max3A_529 = vector.broadcast %max3A_528 : f32 to vector<128x64xf32>
    %max3A_530 = arith.maximumf %dot_general3A_387, %max3A_529 : vector<128x64xf32>
    %get3A_531 = arith.index_cast %min3A_348 : i32 to index
    %get3A_532 = memref.load %arg1[%get3A_531] : memref<128xi32, #tpu.memory_space<smem>>
    %ge3A_533 = vector.broadcast %get3A_532 : i32 to vector<128x1xi32>
    %ge3A_534 = arith.cmpi sge, %add3A_328, %ge3A_533 : vector<128x1xi32>
    %add3A_535 = arith.constant 1 : i32
    %add3A_536 = arith.addi %min3A_348, %add3A_535 : i32
    %get3A_537 = arith.index_cast %add3A_536 : i32 to index
    %get3A_538 = memref.load %arg1[%get3A_537] : memref<128xi32, #tpu.memory_space<smem>>
    %lt3A_539 = vector.broadcast %get3A_538 : i32 to vector<128x1xi32>
    %lt3A_540 = arith.cmpi slt, %add3A_328, %lt3A_539 : vector<128x1xi32>
    %and3A_541 = arith.andi %ge3A_534, %lt3A_540 : vector<128x1xi1>
    %and3A_542 = vector.broadcast %le3A_527 : i1 to vector<128x1xi1>
    %and3A_543 = arith.andi %and3A_541, %and3A_542 : vector<128x1xi1>
    %jit3A_544 = arith.constant 0.000000e+00 : f32
    %broadcast_in_dim3A_545 = vector.shape_cast %and3A_543 : vector<128x1xi1> to vector<128x1xi1>
    %broadcast_in_dim3A_546 = vector.broadcast %broadcast_in_dim3A_545 : vector<128x1xi1> to vector<128x64xi1>
    %broadcast_in_dim3A_547 = vector.broadcast %jit3A_544 : f32 to vector<128x64xf32>
    %select_n3A_548 = arith.select %broadcast_in_dim3A_546, %max3A_530, %broadcast_in_dim3A_547 : vector<128x64xi1>, vector<128x64xf32>
    %get3A_549 = arith.index_cast %min3A_348 : i32 to index
    %get3A_550 = arith.constant 0 : index
    %get3A_551 = arith.constant 0 : index
    %get3A_552 = vector.load %arg7[%get3A_549, %get3A_550, %get3A_551] : memref<64x64x768xf32, #tpu.memory_space<vmem>>, vector<1x64x768xf32>
    %get3A_553 = vector.shape_cast %get3A_552 : vector<1x64x768xf32> to vector<64x768xf32>
    %dot_general3A_554 = arith.constant dense<0.000000e+00> : vector<128x768xf32>
    %dot_general3A_555 = tpu.matmul %select_n3A_548, %get3A_553, %dot_general3A_554 {dimension_numbers = #tpu.dot_dimension_numbers<[1], [0], [0], [1], [0, 0, 1, 1], [], []>, transpose_lhs_hint = false} : vector<128x64xf32>, vector<64x768xf32>, vector<128x768xf32> -> vector<128x768xf32>
    %add3A_556 = arith.addf %add3A_524, %dot_general3A_555 : vector<128x768xf32>
    %add3A_557 = arith.constant 5 : i32
    %add3A_558 = arith.addi %get3A_318, %add3A_557 : i32
    %le3A_559 = arith.cmpi sle, %add3A_558, %get3A_322 : i32
    %max3A_560 = arith.constant 0.000000e+00 : f32
    %max3A_561 = vector.broadcast %max3A_560 : f32 to vector<128x64xf32>
    %max3A_562 = arith.maximumf %dot_general3A_394, %max3A_561 : vector<128x64xf32>
    %get3A_563 = arith.index_cast %min3A_352 : i32 to index
    %get3A_564 = memref.load %arg1[%get3A_563] : memref<128xi32, #tpu.memory_space<smem>>
    %ge3A_565 = vector.broadcast %get3A_564 : i32 to vector<128x1xi32>
    %ge3A_566 = arith.cmpi sge, %add3A_328, %ge3A_565 : vector<128x1xi32>
    %add3A_567 = arith.constant 1 : i32
    %add3A_568 = arith.addi %min3A_352, %add3A_567 : i32
    %get3A_569 = arith.index_cast %add3A_568 : i32 to index
    %get3A_570 = memref.load %arg1[%get3A_569] : memref<128xi32, #tpu.memory_space<smem>>
    %lt3A_571 = vector.broadcast %get3A_570 : i32 to vector<128x1xi32>
    %lt3A_572 = arith.cmpi slt, %add3A_328, %lt3A_571 : vector<128x1xi32>
    %and3A_573 = arith.andi %ge3A_566, %lt3A_572 : vector<128x1xi1>
    %and3A_574 = vector.broadcast %le3A_559 : i1 to vector<128x1xi1>
    %and3A_575 = arith.andi %and3A_573, %and3A_574 : vector<128x1xi1>
    %jit3A_576 = arith.constant 0.000000e+00 : f32
    %broadcast_in_dim3A_577 = vector.shape_cast %and3A_575 : vector<128x1xi1> to vector<128x1xi1>
    %broadcast_in_dim3A_578 = vector.broadcast %broadcast_in_dim3A_577 : vector<128x1xi1> to vector<128x64xi1>
    %broadcast_in_dim3A_579 = vector.broadcast %jit3A_576 : f32 to vector<128x64xf32>
    %select_n3A_580 = arith.select %broadcast_in_dim3A_578, %max3A_562, %broadcast_in_dim3A_579 : vector<128x64xi1>, vector<128x64xf32>
    %get3A_581 = arith.index_cast %min3A_352 : i32 to index
    %get3A_582 = arith.constant 0 : index
    %get3A_583 = arith.constant 0 : index
    %get3A_584 = vector.load %arg7[%get3A_581, %get3A_582, %get3A_583] : memref<64x64x768xf32, #tpu.memory_space<vmem>>, vector<1x64x768xf32>
    %get3A_585 = vector.shape_cast %get3A_584 : vector<1x64x768xf32> to vector<64x768xf32>
    %dot_general3A_586 = arith.constant dense<0.000000e+00> : vector<128x768xf32>
    %dot_general3A_587 = tpu.matmul %select_n3A_580, %get3A_585, %dot_general3A_586 {dimension_numbers = #tpu.dot_dimension_numbers<[1], [0], [0], [1], [0, 0, 1, 1], [], []>, transpose_lhs_hint = false} : vector<128x64xf32>, vector<64x768xf32>, vector<128x768xf32> -> vector<128x768xf32>
    %add3A_588 = arith.addf %add3A_556, %dot_general3A_587 : vector<128x768xf32>
    %sub3A_589 = arith.subi %get3A_322, %get3A_318 : i32
    %add3A_590 = arith.constant 1 : i32
    %add3A_591 = arith.addi %sub3A_589, %add3A_590 : i32
    %while3A_592 = arith.constant 6 : i32
    %while3A_593 = arith.subi %add3A_591, %while3A_592 : i32
    %while3A_594 = arith.addi %while3A_592, %while3A_593 : i32
    %while3A_595 = arith.constant 1 : i32
    %while3A_596 = arith.divsi %while3A_593, %while3A_595 : i32
    %while3A_597 = arith.muli %while3A_596, %while3A_595 : i32
    %while3A_598 = arith.addi %while3A_592, %while3A_597 : i32
    %while3A_599 = arith.constant 1 : i32
    %while3A_600 = scf.for %while3A_614 = %while3A_592 to %while3A_598 step %while3A_599 iter_args(%while3A_615 = %add3A_588) -> (vector<128x768xf32>)  : i32 {
      %add3A_616 = arith.addi %get3A_318, %while3A_614 : i32
      %add3A_617 = arith.addi %get3A_318, %while3A_614 : i32
      %get3A_618 = arith.index_cast %add3A_617 : i32 to index
      %get3A_619 = arith.constant 0 : index
      %get3A_620 = arith.constant 0 : index
      %get3A_621 = vector.load %arg6[%get3A_618, %get3A_619, %get3A_620] : memref<64x64x768xf32, #tpu.memory_space<vmem>>, vector<1x64x768xf32>
      %get3A_622 = vector.shape_cast %get3A_621 : vector<1x64x768xf32> to vector<64x768xf32>
      %dot_general3A_623 = arith.constant dense<0.000000e+00> : vector<128x64xf32>
      %dot_general3A_624 = tpu.matmul %slice3A_323, %get3A_622, %dot_general3A_623 {dimension_numbers = #tpu.dot_dimension_numbers<[1], [1], [0], [0], [0, 0, 1, 0], [], []>, transpose_lhs_hint = false} : vector<128x768xf32>, vector<64x768xf32>, vector<128x64xf32> -> vector<128x64xf32>
      %max3A_625 = arith.constant 0.000000e+00 : f32
      %max3A_626 = vector.broadcast %max3A_625 : f32 to vector<128x64xf32>
      %max3A_627 = arith.maximumf %dot_general3A_624, %max3A_626 : vector<128x64xf32>
      %get3A_628 = arith.index_cast %add3A_616 : i32 to index
      %get3A_629 = memref.load %arg1[%get3A_628] : memref<128xi32, #tpu.memory_space<smem>>
      %ge3A_630 = vector.broadcast %get3A_629 : i32 to vector<128x1xi32>
      %ge3A_631 = arith.cmpi sge, %add3A_328, %ge3A_630 : vector<128x1xi32>
      %add3A_632 = arith.constant 1 : i32
      %add3A_633 = arith.addi %add3A_616, %add3A_632 : i32
      %get3A_634 = arith.index_cast %add3A_633 : i32 to index
      %get3A_635 = memref.load %arg1[%get3A_634] : memref<128xi32, #tpu.memory_space<smem>>
      %lt3A_636 = vector.broadcast %get3A_635 : i32 to vector<128x1xi32>
      %lt3A_637 = arith.cmpi slt, %add3A_328, %lt3A_636 : vector<128x1xi32>
      %and3A_638 = arith.andi %ge3A_631, %lt3A_637 : vector<128x1xi1>
      %and3A_639 = arith.constant true
      %and3A_640 = vector.broadcast %and3A_639 : i1 to vector<128x1xi1>
      %and3A_641 = arith.andi %and3A_638, %and3A_640 : vector<128x1xi1>
      %jit3A_642 = arith.constant 0.000000e+00 : f32
      %broadcast_in_dim3A_643 = vector.shape_cast %and3A_641 : vector<128x1xi1> to vector<128x1xi1>
      %broadcast_in_dim3A_644 = vector.broadcast %broadcast_in_dim3A_643 : vector<128x1xi1> to vector<128x64xi1>
      %broadcast_in_dim3A_645 = vector.broadcast %jit3A_642 : f32 to vector<128x64xf32>
      %select_n3A_646 = arith.select %broadcast_in_dim3A_644, %max3A_627, %broadcast_in_dim3A_645 : vector<128x64xi1>, vector<128x64xf32>
      %get3A_647 = arith.index_cast %add3A_616 : i32 to index
      %get3A_648 = arith.constant 0 : index
      %get3A_649 = arith.constant 0 : index
      %get3A_650 = vector.load %arg7[%get3A_647, %get3A_648, %get3A_649] : memref<64x64x768xf32, #tpu.memory_space<vmem>>, vector<1x64x768xf32>
      %get3A_651 = vector.shape_cast %get3A_650 : vector<1x64x768xf32> to vector<64x768xf32>
      %dot_general3A_652 = arith.constant dense<0.000000e+00> : vector<128x768xf32>
      %dot_general3A_653 = tpu.matmul %select_n3A_646, %get3A_651, %dot_general3A_652 {dimension_numbers = #tpu.dot_dimension_numbers<[1], [0], [0], [1], [0, 0, 1, 1], [], []>, transpose_lhs_hint = false} : vector<128x64xf32>, vector<64x768xf32>, vector<128x768xf32> -> vector<128x768xf32>
      %add3A_654 = arith.addf %while3A_615, %dot_general3A_653 : vector<128x768xf32>
      scf.yield %add3A_654 : vector<128x768xf32>
    }
    %while3A_601 = arith.constant 1 : i32
    %while3A_602 = scf.for %while3A_614 = %while3A_598 to %while3A_594 step %while3A_601 iter_args(%while3A_615 = %while3A_600) -> (vector<128x768xf32>)  : i32 {
      %add3A_616 = arith.addi %get3A_318, %while3A_614 : i32
      %add3A_617 = arith.addi %get3A_318, %while3A_614 : i32
      %get3A_618 = arith.index_cast %add3A_617 : i32 to index
      %get3A_619 = arith.constant 0 : index
      %get3A_620 = arith.constant 0 : index
      %get3A_621 = vector.load %arg6[%get3A_618, %get3A_619, %get3A_620] : memref<64x64x768xf32, #tpu.memory_space<vmem>>, vector<1x64x768xf32>
      %get3A_622 = vector.shape_cast %get3A_621 : vector<1x64x768xf32> to vector<64x768xf32>
      %dot_general3A_623 = arith.constant dense<0.000000e+00> : vector<128x64xf32>
      %dot_general3A_624 = tpu.matmul %slice3A_323, %get3A_622, %dot_general3A_623 {dimension_numbers = #tpu.dot_dimension_numbers<[1], [1], [0], [0], [0, 0, 1, 0], [], []>, transpose_lhs_hint = false} : vector<128x768xf32>, vector<64x768xf32>, vector<128x64xf32> -> vector<128x64xf32>
      %max3A_625 = arith.constant 0.000000e+00 : f32
      %max3A_626 = vector.broadcast %max3A_625 : f32 to vector<128x64xf32>
      %max3A_627 = arith.maximumf %dot_general3A_624, %max3A_626 : vector<128x64xf32>
      %get3A_628 = arith.index_cast %add3A_616 : i32 to index
      %get3A_629 = memref.load %arg1[%get3A_628] : memref<128xi32, #tpu.memory_space<smem>>
      %ge3A_630 = vector.broadcast %get3A_629 : i32 to vector<128x1xi32>
      %ge3A_631 = arith.cmpi sge, %add3A_328, %ge3A_630 : vector<128x1xi32>
      %add3A_632 = arith.constant 1 : i32
      %add3A_633 = arith.addi %add3A_616, %add3A_632 : i32
      %get3A_634 = arith.index_cast %add3A_633 : i32 to index
      %get3A_635 = memref.load %arg1[%get3A_634] : memref<128xi32, #tpu.memory_space<smem>>
      %lt3A_636 = vector.broadcast %get3A_635 : i32 to vector<128x1xi32>
      %lt3A_637 = arith.cmpi slt, %add3A_328, %lt3A_636 : vector<128x1xi32>
      %and3A_638 = arith.andi %ge3A_631, %lt3A_637 : vector<128x1xi1>
      %and3A_639 = arith.constant true
      %and3A_640 = vector.broadcast %and3A_639 : i1 to vector<128x1xi1>
      %and3A_641 = arith.andi %and3A_638, %and3A_640 : vector<128x1xi1>
      %jit3A_642 = arith.constant 0.000000e+00 : f32
      %broadcast_in_dim3A_643 = vector.shape_cast %and3A_641 : vector<128x1xi1> to vector<128x1xi1>
      %broadcast_in_dim3A_644 = vector.broadcast %broadcast_in_dim3A_643 : vector<128x1xi1> to vector<128x64xi1>
      %broadcast_in_dim3A_645 = vector.broadcast %jit3A_642 : f32 to vector<128x64xf32>
      %select_n3A_646 = arith.select %broadcast_in_dim3A_644, %max3A_627, %broadcast_in_dim3A_645 : vector<128x64xi1>, vector<128x64xf32>
      %get3A_647 = arith.index_cast %add3A_616 : i32 to index
      %get3A_648 = arith.constant 0 : index
      %get3A_649 = arith.constant 0 : index
      %get3A_650 = vector.load %arg7[%get3A_647, %get3A_648, %get3A_649] : memref<64x64x768xf32, #tpu.memory_space<vmem>>, vector<1x64x768xf32>
      %get3A_651 = vector.shape_cast %get3A_650 : vector<1x64x768xf32> to vector<64x768xf32>
      %dot_general3A_652 = arith.constant dense<0.000000e+00> : vector<128x768xf32>
      %dot_general3A_653 = tpu.matmul %select_n3A_646, %get3A_651, %dot_general3A_652 {dimension_numbers = #tpu.dot_dimension_numbers<[1], [0], [0], [1], [0, 0, 1, 1], [], []>, transpose_lhs_hint = false} : vector<128x64xf32>, vector<64x768xf32>, vector<128x768xf32> -> vector<128x768xf32>
      %add3A_654 = arith.addf %while3A_615, %dot_general3A_653 : vector<128x768xf32>
      scf.yield %add3A_654 : vector<128x768xf32>
    }
    %slice3A_603 = vector.extract_strided_slice %div3A_21 {offsets = [128, 0], sizes = [128, 1], strides = [1, 1]} : vector<256x1xf32> to vector<128x1xf32>
    %mul3A_604 = vector.broadcast %slice3A_603 : vector<128x1xf32> to vector<128x768xf32>
    %mul3A_605 = arith.mulf %mul3A_604, %while3A_602 : vector<128x768xf32>
    %get3A_606 = arith.constant 0 : index
    %get3A_607 = arith.constant 0 : index
    %get3A_608 = vector.load %arg3[%get3A_606, %get3A_607] : memref<1x768xf32, #tpu.memory_space<vmem>>, vector<1x768xf32>
    %add3A_609 = vector.broadcast %get3A_608 : vector<1x768xf32> to vector<128x768xf32>
    %add3A_610 = arith.addf %mul3A_605, %add3A_609 : vector<128x768xf32>
    %swap3A_611 = arith.constant 128 : index
    %swap3A_612 = arith.constant 0 : index
    %swap3A_613 = vector.load %arg8[%swap3A_611, %swap3A_612] : memref<256x768xf32, #tpu.memory_space<vmem>>, vector<128x768xf32>
    tpu.vector_store %arg8[%swap3A_611, %swap3A_612], %add3A_610 {strides = array<i32>} : memref<256x768xf32, #tpu.memory_space<vmem>>, vector<128x768xf32>,
    return
  }
  func.func @transform_0(%arg0: i32, %arg1: memref<128xi32, #tpu.memory_space<smem>>) -> (i32, i32) {
    %c0_i32 = arith.constant 0 : i32
    %c0_i32_0 = arith.constant 0 : i32
    return %arg0, %c0_i32 : i32, i32
  }
  func.func @transform_1(%arg0: i32, %arg1: memref<128xi32, #tpu.memory_space<smem>>) -> (i32, i32) {
    %c0_i32 = arith.constant 0 : i32
    %c0_i32_0 = arith.constant 0 : i32
    %c0_i32_1 = arith.constant 0 : i32
    return %c0_i32, %c0_i32_0 : i32, i32
  }
  func.func @transform_2(%arg0: i32, %arg1: memref<128xi32, #tpu.memory_space<smem>>) -> (i32, i32) {
    %c0_i32 = arith.constant 0 : i32
    %c0_i32_0 = arith.constant 0 : i32
    %c0_i32_1 = arith.constant 0 : i32
    return %c0_i32, %c0_i32_0 : i32, i32
  }
  func.func @transform_3(%arg0: i32, %arg1: memref<128xi32, #tpu.memory_space<smem>>) -> (i32, i32) {
    %c0_i32 = arith.constant 0 : i32
    %c0_i32_0 = arith.constant 0 : i32
    %c0_i32_1 = arith.constant 0 : i32
    return %c0_i32, %c0_i32_0 : i32, i32
  }
  func.func @transform_4(%arg0: i32, %arg1: memref<128xi32, #tpu.memory_space<smem>>) -> (i32, i32, i32) {
    %c0_i32 = arith.constant 0 : i32
    %c0_i32_0 = arith.constant 0 : i32
    %c0_i32_1 = arith.constant 0 : i32
    %c0_i32_2 = arith.constant 0 : i32
    return %c0_i32, %c0_i32_0, %c0_i32_1 : i32, i32, i32
  }
  func.func @transform_5(%arg0: i32, %arg1: memref<128xi32, #tpu.memory_space<smem>>) -> (i32, i32, i32) {
    %c0_i32 = arith.constant 0 : i32
    %c0_i32_0 = arith.constant 0 : i32
    %c0_i32_1 = arith.constant 0 : i32
    %c0_i32_2 = arith.constant 0 : i32
    return %c0_i32, %c0_i32_0, %c0_i32_1 : i32, i32, i32
  }
  func.func @transform_6(%arg0: i32, %arg1: memref<128xi32, #tpu.memory_space<smem>>) -> (i32, i32) {
    %c0_i32 = arith.constant 0 : i32
    %c0_i32_0 = arith.constant 0 : i32
    return %arg0, %c0_i32 : i32, i32
  }
}

</mosaic_0001>

<sc_bundles>
// kernel: kernel.6.cloned.1.call-start
scs
__scs_entry_jumppad:
0x0: {  	(pc) =	sbr.rel $0x88, $3  }
0x1: {  	(tag) =	ssettag $0x0;
	lr =	simm.s32 $0x1  }
0x2: {  	[smem:$0x3F9B] =	sst lr;
	_ =	strace $0xD0000000  }
0x3: {  	_ = 	snop  }
0x4: {  	_ = 	snop  }
0x5: {  	_ = 	snop  }
0x6: {  	_ = 	snop  }
0x7: {  	_ = 	snop  }
__scs_overlays_trampoline_lowered:
0x8: {  	[smem:$0x3FAA] =	sst s0  }
0x9: {  	[smem:$0x3FAB] =	sst s1  }
0xa: {  	[smem:$0x3FAC] =	sst s2  }
0xb: {  	[smem:$0x3FAD] =	sst s3  }
0xc: {  	[smem:$0x3FAE] =	sst s4  }
0xd: {  	[smem:$0x3FAF] =	sst s5  }
0xe: {  	[smem:$0x3FB0] =	sst s6  }
0xf: {  	[smem:$0x3FB1] =	sst s7  }
0x10: {  	[smem:$0x3FB2] =	sst s8  }
0x11: {  	[smem:$0x3FB3] =	sst s9;
	s0 =	simm.s32 @!p0 $0x0  }
0x12: {  	s1 =	sld [smem:$0x3F99];
	s0 =	simm.s32 @p0 $0x1  }
0x13: {  	[smem:$0x3FB4] =	sst s0;
	s0 =	simm.s32 @!p1 $0x0  }
0x14: {  	s2 =	sld [smem:$0x3F98];
	s0 =	simm.s32 @p1 $0x1  }
0x15: {  	[smem:$0x3FB5] =	sst s0;
	s0 =	simm.s32 @!p2 $0x0  }
0x16: {  	s3 =	sld [smem:$0x3FDB];
	s0 =	simm.s32 @p2 $0x1  }
0x17: {  	s4 =	simm.s32 $0x1BF5;
	[smem:$0x3FB7] =	sst s0  }
0x18: {  	s0 =	sld [smem:$0x3F9A];
	_ =	swait.ge [sflag:s4], $0x0  }
0x19: {  	s7 =	sld [smem:$0x3F9B]  }
0x1a: {  	s8 =	sadd.s32 $0xFFFFE003, lr  }
0x1b: {  	s9 =	sadd.s32 $0xFFFFFEF7, lr;
	s5 =	simm.s32 $0xFFFFFFFF;
	p2 =	slt.u32 s8, $0xFFFFF086  }
0x1c: {  	p1 =	slt.u32 s9, $0xF7A;
	s5 =	simm.s32 @!p2 $0x0  }
0x1d: {  	s5 =	simm.s32 @p1 $0x1;
	p0 =	seq.s32 s7, s2  }
0x1e: {  	s7 =	smul.u32 @!p0 $0xF7A, s2;
	p2 =	seq.s32 @!p0 s5, $0x0  }
0x1f: {  	s9 =	smul.u32 $0xF7A, s1;
	s8 =	simm.s32 @!p0 $0x1BF5;
	p2 =	por !p2, p0  }
0x20: {  	[sflag:s8] =	ssyncset.s32 @!p0 $0xFFFFF086;
	s6 =	sadd.s32 @!p0 s3, s7;
	s7 =	simm.s32 @!p0 $0x108  }
0x21: {  	s3 =	sadd.s32 s3, s9;
	s6 =	sadd.s32 @!p0 $0x88, s6;
	s7 =	simm.s32 @p2 $0x1082  }
0x22: {  	[simem:s7], [sflag:s8] =	dma.local @!p0 [hbm:s6], $0xF7A  }
0x23: {  	s9 =	sor.u32 $0xD0000000, s2;
	s6 =	simm.s32 $0x108;
	_ =	swait.ge @!p0 [sflag:s8], $0x0  }
0x24: {  	s3 =	sadd.s32 $0x88, s3;
	s6 =	simm.s32 @!p1 $0x1082;
	[sflag:s4] =	ssyncset.s32 $0xFFFFF086  }
0x25: {  	[simem:s6], [sflag:s4] =	dma.local [hbm:s3], $0xF7A  }
0x26: {  	[smem:$0x3F9B] =	sst s1;
	(tag) =	ssettag s2;
	_ =	strace s9  }
0x27: {  	s1 =	sld [smem:$0x3FAB]  }
0x28: {  	s2 =	sld [smem:$0x3FAC]  }
0x29: {  	s4 =	sld [smem:$0x3FAE]  }
0x2a: {  	p0 =	seq.s32 s5, $0x0;
	s5 =	sld [smem:$0x3FAF]  }
0x2b: {  	s6 =	sld [smem:$0x3FB0]  }
0x2c: {  	s7 =	sld [smem:$0x3FB1]  }
0x2d: {  	s3 =	simm.s32 $0x108;
	s8 =	sld [smem:$0x3FB2]  }
0x2e: {  	s3 =	simm.s32 @!p0 $0x1082;
	s9 =	sld [smem:$0x3FB3]  }
0x2f: {  	lr =	sadd.s32 s0, s3;
	s0 =	sld [smem:$0x3FAA]  }
0x30: {  	s3 =	sld [smem:$0x3FAD]  }
0x31: {  	[smem:$0x3FB6] =	sst s10  }
0x32: {  	s10 =	sld [smem:$0x3FB4];
	_ =	sdelay $0x3  }
0x33: {  	p0 =	seq.s32 s10, $0x1;
	s10 =	sld [smem:$0x3FB6];
	_ =	sdelay $0x3  }
0x34: {  	[smem:$0x3FB6] =	sst s10  }
0x35: {  	s10 =	sld [smem:$0x3FB5];
	_ =	sdelay $0x3  }
0x36: {  	p1 =	seq.s32 s10, $0x1;
	s10 =	sld [smem:$0x3FB6];
	_ =	sdelay $0x3  }
0x37: {  	[smem:$0x3FB6] =	sst s10  }
0x38: {  	s10 =	sld [smem:$0x3FB7]  }
0x39: {  	_ = 	snop;
	(pc) =	sbr.ind lr, $3  }
0x3a: {  	_ = 	snop  }
0x3b: {  	_ = 	snop  }
0x3c: {  	p2 =	seq.s32 s10, $0x1;
	s10 =	sld [smem:$0x3FB6]  }
0x3d: {  	_ =	shalt  }
0x3e: {  	_ =	shalt  }
0x3f: {  	_ =	shalt  }
0x40: {  	_ =	shalt  }
0x41: {  	_ =	shalt  }
0x42: {  	_ =	shalt  }
0x43: {  	_ =	shalt  }
0x44: {  	_ =	shalt  }
0x45: {  	_ =	shalt  }
0x46: {  	_ =	shalt  }
0x47: {  	_ =	shalt  }
0x48: {  	_ =	shalt  }
0x49: {  	_ =	shalt  }
0x4a: {  	_ =	shalt  }
0x4b: {  	_ =	shalt  }
0x4c: {  	_ =	shalt  }
0x4d: {  	_ =	shalt  }
0x4e: {  	_ =	shalt  }
0x4f: {  	_ =	shalt  }
0x50: {  	_ =	shalt  }
0x51: {  	_ =	shalt  }
0x52: {  	_ =	shalt  }
0x53: {  	_ =	shalt  }
0x54: {  	_ =	shalt  }
0x55: {  	_ =	shalt  }
0x56: {  	_ =	shalt  }
0x57: {  	_ =	shalt  }
0x58: {  	_ =	shalt  }
0x59: {  	_ =	shalt  }
0x5a: {  	_ =	shalt  }
0x5b: {  	_ =	shalt  }
0x5c: {  	_ =	shalt  }
0x5d: {  	_ =	shalt  }
0x5e: {  	_ =	shalt  }
0x5f: {  	_ =	shalt  }
0x60: {  	_ =	shalt  }
0x61: {  	_ =	shalt  }
0x62: {  	_ =	shalt  }
0x63: {  	_ =	shalt  }
0x64: {  	_ =	shalt  }
0x65: {  	_ =	shalt  }
0x66: {  	_ =	shalt  }
0x67: {  	_ =	shalt  }
0x68: {  	_ =	shalt  }
0x69: {  	_ =	shalt  }
0x6a: {  	_ =	shalt  }
0x6b: {  	_ =	shalt  }
0x6c: {  	_ =	shalt  }
0x6d: {  	_ =	shalt  }
0x6e: {  	_ =	shalt  }
0x6f: {  	_ =	shalt  }
0x70: {  	_ =	shalt  }
0x71: {  	_ =	shalt  }
0x72: {  	_ =	shalt  }
0x73: {  	_ =	shalt  }
0x74: {  	_ =	shalt  }
0x75: {  	_ =	shalt  }
0x76: {  	_ =	shalt  }
0x77: {  	_ =	shalt  }
0x78: {  	_ =	shalt  }
0x79: {  	_ =	shalt  }
0x7a: {  	_ =	shalt  }
0x7b: {  	_ =	shalt  }
0x7c: {  	_ =	shalt  }
0x7d: {  	_ =	shalt  }
0x7e: {  	_ =	shalt  }
0x7f: {  	_ =	shalt  }
0x80: {  	_ =	shalt  }
0x81: {  	_ =	shalt  }
0x82: {  	_ =	shalt  }
0x83: {  	_ =	shalt  }
0x84: {  	_ =	shalt  }
0x85: {  	_ =	shalt  }
0x86: {  	_ =	shalt  }
0x87: {  	_ =	shalt  }
.Lfunc_end0:
.L_simem_size_0:
called_computation_lowered:
.L_overlay_start_0:
0x88: {  	s2 =	sld [smem:$0x3FD9]  }
0x89: {  	s3 =	sld [smem:$0x3FFE];
	_ =	sdelay $0x1  }
0x8a: {  	s1 =	srdreg.scid  }
0x8b: {  	s0 =	sand.u32 $0x1, s1  }
0x8c: {  	s17 =	sshll.u32 s0, $0xA;
	s2 =	sadd.s32 s3, s2  }
0x8d: {  	s2 =	sadd.s32 s2, s17  }
0x8e: {  	[smem:$0x3FC2] =	sst s2  }
0x8f: {  	_ = 	snop  }
0x90: {  	s2 =	sld [smem:$0x3FC9]  }
0x91: {  	s18 =	sld [smem:$0x3FD0];
	(tm) =	ssettm $0x1  }
0x92: {  	s4 =	sld [smem:$0x3FFB];
	_ =	sdelay $0x3  }
0x93: {  	_ =	strace s4  }
0x94: {  	s4 =	sld [smem:$0x3FFC];
	_ =	sdelay $0x3  }
0x95: {  	_ =	strace s4  }
0x96: {  	s4 =	sld [smem:$0x3FFD];
	_ =	sdelay $0x3  }
0x97: {  	_ =	strace s4  }
0x98: {  	_ =	strace $0x8FFFFFFF  }
0x99: {  	s19 =	sld [smem:$0x3FDB];
	_ =	sdelay $0x1  }
0x9a: {  	s5 =	simm.s32 $_scs_section_size  }
0x9b: {  	s6 =	simm.s32 $_size__tile_overlayer_lowered;
	s7 =	simm.s32 $_tile_overlayer_lowered  }
0x9c: {  	s22 =	simm.s32 $0x1BFF;
	s21 =	sshll.u32 s7, $0x1;
	s4 =	sadd.s32 s5, s19  }
0x9d: {  	s8 =	simm.s32 $0x0;
	s20 =	sshll.u32 s6, $0x1;
	s6 =	sadd.s32 s21, s4  }
0x9e: {  	[timem:s8], [sflag:s22] =	dma.local [hbm:s6], s20  }
0x9f: {  	_ =	swait.ge [sflag:s22], s20  }
0xa0: {  	s5 =	ssub.s32 $0x0, s20;
	[sflag:s22] =	ssyncset.done $0x0  }
0xa1: {  	[sflag:s22] =	ssyncadd.s32 s5;
	_ =	sdelay $0x1  }
0xa2: {  	s23 =	simm.s32 $0x1B8B  }
0xa3: {  	_ =	swait.ge [sflag:s23], $0x1  }
0xa4: {  	[sflag:s23] =	ssyncset.done $0x0  }
0xa5: {  	s25 =	simm.s32 $0x1B8E;
	s24 =	sld [smem:$0x3FFE];
	[sflag:s23] =	ssyncadd.s32 $0xFFFFFFFF  }
0xa6: {  	s26 =	simm.s32 $execute0_lowered;
	[smem:$0x3FD2] =	sst s25  }
0xa7: {  	s6 =	sshll.u32 s26, $0x1;
	_ =	strace $0x80000046;
	[dreg:$0x1] =	wrdreg $0xFFFFFFFF  }
0xa8: {  	s28 =	simm.s32 $_size_execute0_lowered;
	s4 =	sadd.s32 s4, s6;
	[dreg:$0x0] =	wrdreg $0x0  }
0xa9: {  	s6 =	sshll.u32 s28, $0x1;
	[dreg:$0x2] =	wrdreg s4  }
0xaa: {  	[dreg:$0x3] =	wrdreg s6  }
0xab: {  	[dreg:$0x4] =	wrdreg $0xC0  }
0xac: {  	_ =	task [dreg:s8], $0x5FFFF  }
0xad: {  	[dreg:$0x1] =	wrdreg $0xFFFFFFFF  }
0xae: {  	[dreg:$0x0] =	wrdreg $0x60  }
0xaf: {  	[dreg:$0x2] =	wrdreg s2  }
0xb0: {  	[dreg:$0x3] =	wrdreg s24  }
0xb1: {  	[dreg:$0x4] =	wrdreg s18  }
0xb2: {  	[dreg:$0x5] =	wrdreg $0x9  }
0xb3: {  	_ =	task.clear_ibuf [dreg:s8], $0x6FFFF;
	_ =	strace $0x90000046  }
0xb4: {  	s29 =	simm.s32 $0x9;
	_ =	strace $0x80000048  }
0xb5: {  	_ =	swait.ge [sflag:s29], $0x1  }
0xb6: {  	[sflag:s29] =	ssyncadd.s32 $0xFFFFFFFF  }
0xb7: {  	_ =	strace $0x90000048  }
0xb8: {  	_ =	sfence  }
0xb9: {  	s30 =	sld [smem:$0x0];
	_ =	sdelay $0x2  }
0xba: {  	s31 =	sshll.u32 s1, $0xD;
	s1 =	sshrl.u32 s1, $0x2  }
0xbb: {  	s3 =	sand.u32 $0x4000, s31;
	s1 =	sadd.s32 s1, s30  }
0xbc: {  	s0 =	sor.u32 s3, s0;
	s1 =	sshll.u32 s1, $0x11  }
0xbd: {  	s0 =	sor.u32 s1, s0  }
0xbe: {  	s0 =	sadd.s32 $0x8F2B, s0  }
0xbf: {  	[sflag:s0] =	ssyncadd.remote.s32 $0x1  }
0xc0: {  	_ =	sfence.sel $0xFFFF  }
0xc1: {  	[dreg:$0x0] =	wrdreg $0xFFFFFFFF;
	(pc) =	sbr.abs _section_cstart, $3  }
0xc2: {  	[dreg:$0x1] =	wrdreg $0xFFFFFFFF  }
0xc3: {  	_ =	task.clear_ibuf [dreg:s8], $0x2FFFF;
	_ =	strace $0x9FFFFFFF  }
0xc4: {  	(tm) =	ssettm $0x7FFFFFFF  }
0xc5: {  	_ =	shalt  }
tec
execute0_lowered:
.L_overlay_start_1:
0x0: {  	(tag) =	ssettag $0x1  }
0x1: {  	s1 =	rddreg [dreg:$0x0]  }
0x2: {  	s0 =	rddreg [dreg:$0x1]  }
0x3: {  	s5 =	rddreg [dreg:$0x2]  }
0x4: {  	s3 =	srdreg.scid;
	s2 =	stileid.u32;
	s8 =	simm.s32 $0x80  }
0x5: {  	s26 =	simm.s32 $0x880;
	s9 =	simm.s32 $0x1080;
	s10 =	simm.s32 $0x1880  }
0x6: {  	s11 =	simm.s32 $0x2080;
	s12 =	simm.s32 $0x2880;
	s13 =	simm.s32 $0x3080  }
0x7: {  	s14 =	simm.s32 $0x3880;
	s15 =	simm.s32 $0x4080;
	s16 =	simm.s32 $0x4880  }
0x8: {  	s17 =	simm.s32 $0x5080;
	s18 =	simm.s32 $0x5880;
	s19 =	simm.s32 $0x6080  }
0x9: {  	s20 =	simm.s32 $0x6880;
	s21 =	simm.s32 $0x7080;
	s22 =	simm.s32 $0x7880  }
0xa: {  	s23 =	simm.s32 $0x8080;
	s28 =	simm.s32 $0xA080;
	s29 =	simm.s32 $0xA880  }
0xb: {  	s30 =	simm.s32 $0xB080;
	s31 =	simm.s32 $0xB880;
	s4 =	sand.u32 $0x1, s3  }
0xc: {  	s3 =	simm.s32 $0x0;
	s6 =	sshll.u32 s2, $0x4;
	s7 =	sshll.u32 s4, $0x3  }
0xd: {  	[smem:$0x7FF] =	sst s3;
	s4 =	ssub.s32 $0x2, s4;
	s6 =	sor.u32 s7, s6  }
0xe: {  	s24 =	sshrl.u32 s4, $0x1;
	_ =	strace $0x80000047;
	[dreg:$0x6] =	wrdreg s26  }
0xf: {  	s26 =	simm.s32 $0x9880;
	s0 =	sadd.s32 s6, s0;
	s6 =	smul.u32 $0x300, s6  }
0x10: {  	s7 =	ssub.s32 s4, s24;
	s4 =	sadd.s32 $0x100, s1;
	s0 =	sadd.s32 $0x1A00, s0  }
0x11: {  	v2 =	vlaneseq.u32;
	s24 =	simm.s32 $0x8880;
	[dreg:$0x4] =	wrdreg s0;
	s25 =	sadd.s32 s5, s6  }
0x12: {  	vm0 =	vmmov $0xffff;
	v1 =	vshrl.u32 v2, $0x3;
	s5 =	sadd.s32 $0x200, s1;
	s6 =	smax.u32 s7, $0x1;
	s7 =	simm.s32 $0x2  }
0x13: {  	v0 =	vand.u32 $0x7, v2;
	v2 =	vor.u32 $0x8, v2;
	v1 =	vmul.u32 $0x8, v1;
	s0 =	simm.s32 $0x1;
	[dreg:$0x5] =	wrdreg s25;
	s25 =	simm.s32 $0x9080  }
.LBB2_1:
0x14: {  	s2 =	rddreg [dreg:$0x4]  }
0x15: {  	[tilespmem:s3], [sflag:$0x2] =	stream.linear.gather [hbm4b:s2+s3], $0x40, $0x38;
	[tilespmem:$0xC080] =	vst v63  }
0x16: {  	_ =	swait.ge [sflag:s7], $0x40  }
0x17: {  	[sflag:s7] =	ssyncset.done $0x0  }
0x18: {  	[sflag:s7] =	ssyncadd.s32 $0xFFFFFFC0  }
0x19: {  	v3 =	vld [tilespmem:$0x0];
	_ =	sdelay $0x4  }
0x1a: {  	v4 =	vshrl.u32 v3, $0x3  }
0x1b: {  	v4 =	vmul.u32 $0x30, v4  }
0x1c: {  	v3 =	vand.u32 $0x7, v3  }
0x1d: {  	v3 =	vor.u32 v3, v4  }
0x1e: {  	v4 =	vperm.xlane v3, v0;
	_ =	sdelay $0x1  }
0x1f: {  	v4 =	vadd.s32 v1, v4;
	_ =	sdelay $0x3  }
0x20: {  	v3 =	vperm.xlane v3, v2  }
0x21: {  	[tilespmem:s8], [sflag:$0x1] =	stream.indirect_vreg.gather [hbm4b:s1+s3], $0x80, v4, vm0, $0xb8;
	[tilespmem:$0xC080] =	vst v63  }
0x22: {  	s2 =	rddreg [dreg:$0x6];
	v3 =	vadd.s32 v1, v3  }
0x23: {  	[tilespmem:s2], [sflag:$0x1] =	stream.indirect_vreg.gather [hbm4b:s4+s3], $0x80, v4, vm0, $0xb8;
	[tilespmem:$0xC080] =	vst v63  }
0x24: {  	_ = 	snop  }
0x25: {  	[tilespmem:s9], [sflag:$0x1] =	stream.indirect_vreg.gather [hbm4b:s5+s3], $0x80, v4, vm0, $0xb8;
	[tilespmem:$0xC080] =	vst v63  }
0x26: {  	_ = 	snop  }
0x27: {  	[tilespmem:s10], [sflag:$0x1] =	stream.indirect_vreg.gather [hbm4b:s1+s3], $0x80, v3, vm0, $0xb8;
	[tilespmem:$0xC080] =	vst v63  }
0x28: {  	_ = 	snop  }
0x29: {  	[tilespmem:s11], [sflag:$0x1] =	stream.indirect_vreg.gather [hbm4b:s4+s3], $0x80, v3, vm0, $0xb8;
	[tilespmem:$0xC080] =	vst v63  }
0x2a: {  	_ = 	snop  }
0x2b: {  	[tilespmem:s12], [sflag:$0x1] =	stream.indirect_vreg.gather [hbm4b:s5+s3], $0x80, v3, vm0, $0xb8;
	[tilespmem:$0xC080] =	vst v63  }
0x2c: {  	v3 =	vld [tilespmem:$0x10];
	_ =	sdelay $0x4  }
0x2d: {  	v61 =	vshrl.u32 v3, $0x3  }
0x2e: {  	v4 =	vmul.u32 $0x30, v61  }
0x2f: {  	v3 =	vand.u32 $0x7, v3  }
0x30: {  	v3 =	vor.u32 v3, v4  }
0x31: {  	v4 =	vperm.xlane v3, v0;
	_ =	sdelay $0x1  }
0x32: {  	v4 =	vadd.s32 v1, v4;
	_ =	sdelay $0x3  }
0x33: {  	v3 =	vperm.xlane v3, v2  }
0x34: {  	[tilespmem:s13], [sflag:$0x1] =	stream.indirect_vreg.gather [hbm4b:s1+s3], $0x80, v4, vm0, $0xb8;
	[tilespmem:$0xC080] =	vst v63  }
0x35: {  	v3 =	vadd.s32 v1, v3  }
0x36: {  	[tilespmem:s14], [sflag:$0x1] =	stream.indirect_vreg.gather [hbm4b:s4+s3], $0x80, v4, vm0, $0xb8;
	[tilespmem:$0xC080] =	vst v63  }
0x37: {  	_ = 	snop  }
0x38: {  	[tilespmem:s15], [sflag:$0x1] =	stream.indirect_vreg.gather [hbm4b:s5+s3], $0x80, v4, vm0, $0xb8;
	[tilespmem:$0xC080] =	vst v63  }
0x39: {  	_ = 	snop  }
0x3a: {  	[tilespmem:s16], [sflag:$0x1] =	stream.indirect_vreg.gather [hbm4b:s1+s3], $0x80, v3, vm0, $0xb8;
	[tilespmem:$0xC080] =	vst v63  }
0x3b: {  	_ = 	snop  }
0x3c: {  	[tilespmem:s17], [sflag:$0x1] =	stream.indirect_vreg.gather [hbm4b:s4+s3], $0x80, v3, vm0, $0xb8;
	[tilespmem:$0xC080] =	vst v63  }
0x3d: {  	_ = 	snop  }
0x3e: {  	[tilespmem:s18], [sflag:$0x1] =	stream.indirect_vreg.gather [hbm4b:s5+s3], $0x80, v3, vm0, $0xb8;
	[tilespmem:$0xC080] =	vst v63  }
0x3f: {  	v3 =	vld [tilespmem:$0x20];
	_ =	sdelay $0x4  }
0x40: {  	v62 =	vshrl.u32 v3, $0x3  }
0x41: {  	v4 =	vmul.u32 $0x30, v62  }
0x42: {  	v3 =	vand.u32 $0x7, v3  }
0x43: {  	v3 =	vor.u32 v3, v4  }
0x44: {  	v4 =	vperm.xlane v3, v0;
	_ =	sdelay $0x1  }
0x45: {  	v4 =	vadd.s32 v1, v4;
	_ =	sdelay $0x3  }
0x46: {  	v3 =	vperm.xlane v3, v2  }
0x47: {  	[tilespmem:s19], [sflag:$0x1] =	stream.indirect_vreg.gather [hbm4b:s1+s3], $0x80, v4, vm0, $0xb8;
	[tilespmem:$0xC080] =	vst v63  }
0x48: {  	v3 =	vadd.s32 v1, v3  }
0x49: {  	[tilespmem:s20], [sflag:$0x1] =	stream.indirect_vreg.gather [hbm4b:s4+s3], $0x80, v4, vm0, $0xb8;
	[tilespmem:$0xC080] =	vst v63  }
0x4a: {  	_ = 	snop  }
0x4b: {  	[tilespmem:s21], [sflag:$0x1] =	stream.indirect_vreg.gather [hbm4b:s5+s3], $0x80, v4, vm0, $0xb8;
	[tilespmem:$0xC080] =	vst v63  }
0x4c: {  	_ = 	snop  }
0x4d: {  	[tilespmem:s22], [sflag:$0x1] =	stream.indirect_vreg.gather [hbm4b:s1+s3], $0x80, v3, vm0, $0xb8;
	[tilespmem:$0xC080] =	vst v63  }
0x4e: {  	_ = 	snop  }
0x4f: {  	[tilespmem:s23], [sflag:$0x1] =	stream.indirect_vreg.gather [hbm4b:s4+s3], $0x80, v3, vm0, $0xb8;
	[tilespmem:$0xC080] =	vst v63  }
0x50: {  	_ = 	snop  }
0x51: {  	[tilespmem:s24], [sflag:$0x1] =	stream.indirect_vreg.gather [hbm4b:s5+s3], $0x80, v3, vm0, $0xb8;
	[tilespmem:$0xC080] =	vst v63  }
0x52: {  	v3 =	vld [tilespmem:$0x30];
	_ =	sdelay $0x4  }
0x53: {  	v63 =	vshrl.u32 v3, $0x3  }
0x54: {  	v4 =	vmul.u32 $0x30, v63  }
0x55: {  	v3 =	vand.u32 $0x7, v3  }
0x56: {  	v3 =	vor.u32 v3, v4  }
0x57: {  	v4 =	vperm.xlane v3, v0;
	_ =	sdelay $0x1  }
0x58: {  	v4 =	vadd.s32 v1, v4;
	_ =	sdelay $0x3  }
0x59: {  	v3 =	vperm.xlane v3, v2  }
0x5a: {  	[tilespmem:s25], [sflag:$0x1] =	stream.indirect_vreg.gather [hbm4b:s1+s3], $0x80, v4, vm0, $0xb8;
	[tilespmem:$0xC080] =	vst v63  }
0x5b: {  	v3 =	vadd.s32 v1, v3  }
0x5c: {  	[tilespmem:s26], [sflag:$0x1] =	stream.indirect_vreg.gather [hbm4b:s4+s3], $0x80, v4, vm0, $0xb8;
	[tilespmem:$0xC080] =	vst v63  }
0x5d: {  	_ = 	snop  }
0x5e: {  	[tilespmem:s28], [sflag:$0x1] =	stream.indirect_vreg.gather [hbm4b:s5+s3], $0x80, v4, vm0, $0xb8;
	[tilespmem:$0xC080] =	vst v63  }
0x5f: {  	_ = 	snop  }
0x60: {  	[tilespmem:s29], [sflag:$0x1] =	stream.indirect_vreg.gather [hbm4b:s1+s3], $0x80, v3, vm0, $0xb8;
	[tilespmem:$0xC080] =	vst v63  }
0x61: {  	_ = 	snop  }
0x62: {  	[tilespmem:s30], [sflag:$0x1] =	stream.indirect_vreg.gather [hbm4b:s4+s3], $0x80, v3, vm0, $0xb8;
	[tilespmem:$0xC080] =	vst v63  }
0x63: {  	_ = 	snop  }
0x64: {  	[tilespmem:s31], [sflag:$0x1] =	stream.indirect_vreg.gather [hbm4b:s5+s3], $0x80, v3, vm0, $0xb8;
	[tilespmem:$0xC080] =	vst v63  }
0x65: {  	_ =	swait.ge [sflag:s0], $0xC000  }
0x66: {  	p0 =	sne.s32 s6, $0x1;
	[sflag:s0] =	ssyncset.done $0x0  }
.Ltmp0:
0x67: {  	s2 =	rddreg [dreg:$0x5];
	[sflag:s0] =	ssyncadd.s32 $0xFFFF4000;
	(pc) =	sbr.rel @p0 .LBB2_1-.Ltmp0, $4  }
0x68: {  	[hbm4b:s2+s3] =	stream.linear.scatter [tilespmem:s8], [sflag:$0x2], $0xC000, $0x38;
	[tilespmem:$0xC080] =	vst v63  }
0x69: {  	_ =	swait.ge [sflag:s7], $0xC000  }
0x6a: {  	[sflag:s7] =	ssyncset.done $0x0  }
0x6b: {  	s6 =	sadd.s32 $0xFFFFFFFF, s6;
	[sflag:s7] =	ssyncadd.s32 $0xFFFF4000  }
0x6c: {  	_ =	sfence.sel $0x180000  }
0x6d: {  	[bflag:$0x0] =	sbarrier.arrive $0xFFFF  }
0x6e: {  	_ =	strace $0x90000047  }
0x6f: {  	s0 =	stileid.u32;
	[bflag:$0x2] =	sbarrier.arrive $0xFFFF  }
0x70: {  	p0 =	sne.s32 s0, $0x0;
	s0 =	rddreg [dreg:$0x3]  }
0x71: {  	s0 =	sadd.s32 @!p0 $0x100000, s0  }
0x72: {  	[sflag:s0] =	ssyncadd.tile.s32 @!p0 $0x1;
	_ =	shalt  }
.Lfunc_end2:
_tile_overlayer_lowered:
.L_overlay_start_2:
0x73: {  	(tag) =	ssettag $0x2  }
0x74: {  	s0 =	rddreg [dreg:$0x0];
	s2 =	stileid.u32  }
0x75: {  	s1 =	rddreg [dreg:$0x1];
	p0 =	sne.s32 s2, $0x0  }
0x76: {  	s3 =	rddreg [dreg:$0x2];
	[bflag:$0x3] =	sbarrier.arrive $0xFFFF;
	s2 =	simm.s32 @!p0 $0x1C02  }
0x77: {  	[timem:s3], [sflag:s2] =	dma.local @!p0 [hbm:s0], s1  }
0x78: {  	s0 =	simm.s32 @!p0 $0x2  }
0x79: {  	_ =	swait.ge @!p0 [sflag:s0], s1  }
0x7a: {  	s1 =	ssub.s32 @!p0 $0x0, s1;
	[sflag:s0] =	ssyncset.done @!p0 $0x0  }
0x7b: {  	[sflag:s0] =	ssyncadd.s32 @!p0 s1  }
0x7c: {  	[bflag:$0x3] =	sbarrier.arrive $0xFFFF  }
0x7d: {  	_ =	shalt  }

// kernel: kernel.9.cloned.1.call-start
scs
__scs_entry_jumppad:
0x0: {  	(pc) =	sbr.rel $0x88, $3  }
0x1: {  	(tag) =	ssettag $0x0;
	lr =	simm.s32 $0x1  }
0x2: {  	[smem:$0x3F9B] =	sst lr;
	_ =	strace $0xD0000000  }
0x3: {  	_ = 	snop  }
0x4: {  	_ = 	snop  }
0x5: {  	_ = 	snop  }
0x6: {  	_ = 	snop  }
0x7: {  	_ = 	snop  }
__scs_overlays_trampoline_lowered:
0x8: {  	[smem:$0x3FAA] =	sst s0  }
0x9: {  	[smem:$0x3FAB] =	sst s1  }
0xa: {  	[smem:$0x3FAC] =	sst s2  }
0xb: {  	[smem:$0x3FAD] =	sst s3  }
0xc: {  	[smem:$0x3FAE] =	sst s4  }
0xd: {  	[smem:$0x3FAF] =	sst s5  }
0xe: {  	[smem:$0x3FB0] =	sst s6  }
0xf: {  	[smem:$0x3FB1] =	sst s7  }
0x10: {  	[smem:$0x3FB2] =	sst s8  }
0x11: {  	[smem:$0x3FB3] =	sst s9;
	s0 =	simm.s32 @!p0 $0x0  }
0x12: {  	s1 =	sld [smem:$0x3F99];
	s0 =	simm.s32 @p0 $0x1  }
0x13: {  	[smem:$0x3FB4] =	sst s0;
	s0 =	simm.s32 @!p1 $0x0  }
0x14: {  	s2 =	sld [smem:$0x3F98];
	s0 =	simm.s32 @p1 $0x1  }
0x15: {  	[smem:$0x3FB5] =	sst s0;
	s0 =	simm.s32 @!p2 $0x0  }
0x16: {  	s3 =	sld [smem:$0x3FDB];
	s0 =	simm.s32 @p2 $0x1  }
0x17: {  	s4 =	simm.s32 $0x1BF5;
	[smem:$0x3FB7] =	sst s0  }
0x18: {  	s0 =	sld [smem:$0x3F9A];
	_ =	swait.ge [sflag:s4], $0x0  }
0x19: {  	s7 =	sld [smem:$0x3F9B]  }
0x1a: {  	s8 =	sadd.s32 $0xFFFFE003, lr  }
0x1b: {  	s9 =	sadd.s32 $0xFFFFFEF7, lr;
	s5 =	simm.s32 $0xFFFFFFFF;
	p2 =	slt.u32 s8, $0xFFFFF086  }
0x1c: {  	p1 =	slt.u32 s9, $0xF7A;
	s5 =	simm.s32 @!p2 $0x0  }
0x1d: {  	s5 =	simm.s32 @p1 $0x1;
	p0 =	seq.s32 s7, s2  }
0x1e: {  	s7 =	smul.u32 @!p0 $0xF7A, s2;
	p2 =	seq.s32 @!p0 s5, $0x0  }
0x1f: {  	s9 =	smul.u32 $0xF7A, s1;
	s8 =	simm.s32 @!p0 $0x1BF5;
	p2 =	por !p2, p0  }
0x20: {  	[sflag:s8] =	ssyncset.s32 @!p0 $0xFFFFF086;
	s6 =	sadd.s32 @!p0 s3, s7;
	s7 =	simm.s32 @!p0 $0x108  }
0x21: {  	s3 =	sadd.s32 s3, s9;
	s6 =	sadd.s32 @!p0 $0x88, s6;
	s7 =	simm.s32 @p2 $0x1082  }
0x22: {  	[simem:s7], [sflag:s8] =	dma.local @!p0 [hbm:s6], $0xF7A  }
0x23: {  	s9 =	sor.u32 $0xD0000000, s2;
	s6 =	simm.s32 $0x108;
	_ =	swait.ge @!p0 [sflag:s8], $0x0  }
0x24: {  	s3 =	sadd.s32 $0x88, s3;
	s6 =	simm.s32 @!p1 $0x1082;
	[sflag:s4] =	ssyncset.s32 $0xFFFFF086  }
0x25: {  	[simem:s6], [sflag:s4] =	dma.local [hbm:s3], $0xF7A  }
0x26: {  	[smem:$0x3F9B] =	sst s1;
	(tag) =	ssettag s2;
	_ =	strace s9  }
0x27: {  	s1 =	sld [smem:$0x3FAB]  }
0x28: {  	s2 =	sld [smem:$0x3FAC]  }
0x29: {  	s4 =	sld [smem:$0x3FAE]  }
0x2a: {  	p0 =	seq.s32 s5, $0x0;
	s5 =	sld [smem:$0x3FAF]  }
0x2b: {  	s6 =	sld [smem:$0x3FB0]  }
0x2c: {  	s7 =	sld [smem:$0x3FB1]  }
0x2d: {  	s3 =	simm.s32 $0x108;
	s8 =	sld [smem:$0x3FB2]  }
0x2e: {  	s3 =	simm.s32 @!p0 $0x1082;
	s9 =	sld [smem:$0x3FB3]  }
0x2f: {  	lr =	sadd.s32 s0, s3;
	s0 =	sld [smem:$0x3FAA]  }
0x30: {  	s3 =	sld [smem:$0x3FAD]  }
0x31: {  	[smem:$0x3FB6] =	sst s10  }
0x32: {  	s10 =	sld [smem:$0x3FB4];
	_ =	sdelay $0x3  }
0x33: {  	p0 =	seq.s32 s10, $0x1;
	s10 =	sld [smem:$0x3FB6];
	_ =	sdelay $0x3  }
0x34: {  	[smem:$0x3FB6] =	sst s10  }
0x35: {  	s10 =	sld [smem:$0x3FB5];
	_ =	sdelay $0x3  }
0x36: {  	p1 =	seq.s32 s10, $0x1;
	s10 =	sld [smem:$0x3FB6];
	_ =	sdelay $0x3  }
0x37: {  	[smem:$0x3FB6] =	sst s10  }
0x38: {  	s10 =	sld [smem:$0x3FB7]  }
0x39: {  	_ = 	snop;
	(pc) =	sbr.ind lr, $3  }
0x3a: {  	_ = 	snop  }
0x3b: {  	_ = 	snop  }
0x3c: {  	p2 =	seq.s32 s10, $0x1;
	s10 =	sld [smem:$0x3FB6]  }
0x3d: {  	_ =	shalt  }
0x3e: {  	_ =	shalt  }
0x3f: {  	_ =	shalt  }
0x40: {  	_ =	shalt  }
0x41: {  	_ =	shalt  }
0x42: {  	_ =	shalt  }
0x43: {  	_ =	shalt  }
0x44: {  	_ =	shalt  }
0x45: {  	_ =	shalt  }
0x46: {  	_ =	shalt  }
0x47: {  	_ =	shalt  }
0x48: {  	_ =	shalt  }
0x49: {  	_ =	shalt  }
0x4a: {  	_ =	shalt  }
0x4b: {  	_ =	shalt  }
0x4c: {  	_ =	shalt  }
0x4d: {  	_ =	shalt  }
0x4e: {  	_ =	shalt  }
0x4f: {  	_ =	shalt  }
0x50: {  	_ =	shalt  }
0x51: {  	_ =	shalt  }
0x52: {  	_ =	shalt  }
0x53: {  	_ =	shalt  }
0x54: {  	_ =	shalt  }
0x55: {  	_ =	shalt  }
0x56: {  	_ =	shalt  }
0x57: {  	_ =	shalt  }
0x58: {  	_ =	shalt  }
0x59: {  	_ =	shalt  }
0x5a: {  	_ =	shalt  }
0x5b: {  	_ =	shalt  }
0x5c: {  	_ =	shalt  }
0x5d: {  	_ =	shalt  }
0x5e: {  	_ =	shalt  }
0x5f: {  	_ =	shalt  }
0x60: {  	_ =	shalt  }
0x61: {  	_ =	shalt  }
0x62: {  	_ =	shalt  }
0x63: {  	_ =	shalt  }
0x64: {  	_ =	shalt  }
0x65: {  	_ =	shalt  }
0x66: {  	_ =	shalt  }
0x67: {  	_ =	shalt  }
0x68: {  	_ =	shalt  }
0x69: {  	_ =	shalt  }
0x6a: {  	_ =	shalt  }
0x6b: {  	_ =	shalt  }
0x6c: {  	_ =	shalt  }
0x6d: {  	_ =	shalt  }
0x6e: {  	_ =	shalt  }
0x6f: {  	_ =	shalt  }
0x70: {  	_ =	shalt  }
0x71: {  	_ =	shalt  }
0x72: {  	_ =	shalt  }
0x73: {  	_ =	shalt  }
0x74: {  	_ =	shalt  }
0x75: {  	_ =	shalt  }
0x76: {  	_ =	shalt  }
0x77: {  	_ =	shalt  }
0x78: {  	_ =	shalt  }
0x79: {  	_ =	shalt  }
0x7a: {  	_ =	shalt  }
0x7b: {  	_ =	shalt  }
0x7c: {  	_ =	shalt  }
0x7d: {  	_ =	shalt  }
0x7e: {  	_ =	shalt  }
0x7f: {  	_ =	shalt  }
0x80: {  	_ =	shalt  }
0x81: {  	_ =	shalt  }
0x82: {  	_ =	shalt  }
0x83: {  	_ =	shalt  }
0x84: {  	_ =	shalt  }
0x85: {  	_ =	shalt  }
0x86: {  	_ =	shalt  }
0x87: {  	_ =	shalt  }
.Lfunc_end0:
.L_simem_size_0:
called_computation.1_lowered:
.L_overlay_start_0:
0x88: {  	s2 =	sld [smem:$0x3FD9]  }
0x89: {  	s3 =	sld [smem:$0x3FFE];
	_ =	sdelay $0x1  }
0x8a: {  	s1 =	srdreg.scid  }
0x8b: {  	s0 =	sand.u32 $0x1, s1  }
0x8c: {  	s17 =	sshll.u32 s0, $0xA;
	s2 =	sadd.s32 s3, s2  }
0x8d: {  	s2 =	sadd.s32 s2, s17  }
0x8e: {  	[smem:$0x3FC2] =	sst s2  }
0x8f: {  	_ = 	snop  }
0x90: {  	s2 =	sld [smem:$0x3FD0];
	(tm) =	ssettm $0x1  }
0x91: {  	s18 =	sld [smem:$0x3FFB];
	_ =	sdelay $0x3  }
0x92: {  	_ =	strace s18  }
0x93: {  	s3 =	sld [smem:$0x3FFC];
	_ =	sdelay $0x3  }
0x94: {  	_ =	strace s3  }
0x95: {  	s3 =	sld [smem:$0x3FFD];
	_ =	sdelay $0x3  }
0x96: {  	_ =	strace s3  }
0x97: {  	_ =	strace $0x8FFFFFFF  }
0x98: {  	s19 =	sld [smem:$0x3FDB];
	_ =	sdelay $0x1  }
0x99: {  	s4 =	simm.s32 $_scs_section_size  }
0x9a: {  	s5 =	simm.s32 $_size__tile_overlayer_lowered;
	s6 =	simm.s32 $_tile_overlayer_lowered  }
0x9b: {  	s22 =	simm.s32 $0x1BFF;
	s21 =	sshll.u32 s6, $0x1;
	s3 =	sadd.s32 s4, s19  }
0x9c: {  	s7 =	simm.s32 $0x0;
	s20 =	sshll.u32 s5, $0x1;
	s5 =	sadd.s32 s21, s3  }
0x9d: {  	[timem:s7], [sflag:s22] =	dma.local [hbm:s5], s20  }
0x9e: {  	_ =	swait.ge [sflag:s22], s20  }
0x9f: {  	s4 =	ssub.s32 $0x0, s20;
	[sflag:s22] =	ssyncset.done $0x0  }
0xa0: {  	[sflag:s22] =	ssyncadd.s32 s4;
	_ =	sdelay $0x1  }
0xa1: {  	s23 =	simm.s32 $0x1B8B  }
0xa2: {  	_ =	swait.ge [sflag:s23], $0x1  }
0xa3: {  	[sflag:s23] =	ssyncset.done $0x0  }
0xa4: {  	s25 =	simm.s32 $0x1B8E;
	s24 =	sld [smem:$0x3FFE];
	[sflag:s23] =	ssyncadd.s32 $0xFFFFFFFF  }
0xa5: {  	s26 =	simm.s32 $execute0_lowered;
	[smem:$0x3FD2] =	sst s25  }
0xa6: {  	s5 =	sshll.u32 s26, $0x1;
	_ =	strace $0x80000049;
	[dreg:$0x1] =	wrdreg $0xFFFFFFFF  }
0xa7: {  	s28 =	simm.s32 $_size_execute0_lowered;
	s3 =	sadd.s32 s3, s5;
	[dreg:$0x0] =	wrdreg $0x0  }
0xa8: {  	s5 =	sshll.u32 s28, $0x1;
	[dreg:$0x2] =	wrdreg s3  }
0xa9: {  	[dreg:$0x3] =	wrdreg s5  }
0xaa: {  	[dreg:$0x4] =	wrdreg $0xC0  }
0xab: {  	_ =	task [dreg:s7], $0x5FFFF  }
0xac: {  	[dreg:$0x1] =	wrdreg $0xFFFFFFFF  }
0xad: {  	[dreg:$0x0] =	wrdreg $0x60  }
0xae: {  	[dreg:$0x2] =	wrdreg s24  }
0xaf: {  	[dreg:$0x3] =	wrdreg s2  }
0xb0: {  	[dreg:$0x4] =	wrdreg $0x9  }
0xb1: {  	_ =	task.clear_ibuf [dreg:s7], $0x5FFFF;
	_ =	strace $0x90000049  }
0xb2: {  	s29 =	simm.s32 $0x9;
	_ =	strace $0x8000004B  }
0xb3: {  	_ =	swait.ge [sflag:s29], $0x1  }
0xb4: {  	[sflag:s29] =	ssyncadd.s32 $0xFFFFFFFF  }
0xb5: {  	_ =	strace $0x9000004B  }
0xb6: {  	_ =	sfence  }
0xb7: {  	s30 =	sld [smem:$0x0];
	_ =	sdelay $0x2  }
0xb8: {  	s31 =	sshll.u32 s1, $0xD;
	s1 =	sshrl.u32 s1, $0x2  }
0xb9: {  	s3 =	sand.u32 $0x4000, s31;
	s1 =	sadd.s32 s1, s30  }
0xba: {  	s0 =	sor.u32 s3, s0;
	s1 =	sshll.u32 s1, $0x11  }
0xbb: {  	s0 =	sor.u32 s1, s0  }
0xbc: {  	s0 =	sadd.s32 $0x8F2B, s0  }
0xbd: {  	[sflag:s0] =	ssyncadd.remote.s32 $0x1  }
0xbe: {  	_ =	sfence.sel $0xFFFF  }
0xbf: {  	[dreg:$0x0] =	wrdreg $0xFFFFFFFF;
	(pc) =	sbr.abs _section_cstart, $3  }
0xc0: {  	[dreg:$0x1] =	wrdreg $0xFFFFFFFF  }
0xc1: {  	_ =	task.clear_ibuf [dreg:s7], $0x2FFFF;
	_ =	strace $0x9FFFFFFF  }
0xc2: {  	(tm) =	ssettm $0x7FFFFFFF  }
0xc3: {  	_ =	shalt  }
tec
execute0_lowered:
.L_overlay_start_1:
0x0: {  	(tag) =	ssettag $0x1  }
0x1: {  	s0 =	rddreg [dreg:$0x0]  }
0x2: {  	s5 =	rddreg [dreg:$0x1];
	s3 =	srdreg.scid  }
0x3: {  	s2 =	simm.s32 $0x0;
	s1 =	stileid.u32;
	s26 =	simm.s32 $0x880  }
0x4: {  	s10 =	simm.s32 $0x1880;
	s11 =	simm.s32 $0x2080;
	s12 =	simm.s32 $0x2880  }
0x5: {  	s13 =	simm.s32 $0x3080;
	s14 =	simm.s32 $0x3880;
	s15 =	simm.s32 $0x4080  }
0x6: {  	s16 =	simm.s32 $0x4880;
	s17 =	simm.s32 $0x5080;
	s18 =	simm.s32 $0x5880  }
0x7: {  	s19 =	simm.s32 $0x6080;
	s20 =	simm.s32 $0x6880;
	s21 =	simm.s32 $0x7080  }
0x8: {  	s22 =	simm.s32 $0x7880;
	s28 =	simm.s32 $0xA080;
	s29 =	simm.s32 $0xA880  }
0x9: {  	s30 =	simm.s32 $0xB080;
	s31 =	simm.s32 $0xB880;
	s3 =	sand.u32 $0x1, s3  }
0xa: {  	[smem:$0x7FF] =	sst s2;
	s4 =	sshll.u32 s1, $0x4;
	s6 =	sshll.u32 s3, $0x3  }
0xb: {  	_ =	strace $0x8000004A;
	s23 =	ssub.s32 $0x2, s3;
	s3 =	sadd.s32 $0x1E00, s0  }
0xc: {  	[dreg:$0x5] =	wrdreg s26;
	s26 =	simm.s32 $0x9880;
	s4 =	sor.u32 s6, s4  }
0xd: {  	s8 =	sshrl.u32 s23, $0x1;
	s7 =	sadd.s32 s4, s0;
	s9 =	smul.u32 $0x300, s4  }
0xe: {  	s6 =	ssub.s32 s23, s8;
	s4 =	sadd.s32 $0x1F00, s0;
	s8 =	simm.s32 $0x80  }
0xf: {  	s23 =	simm.s32 $0x8080;
	s24 =	sadd.s32 $0x1C00, s7;
	s6 =	smax.u32 s6, $0x1  }
0x10: {  	v2 =	vlaneseq.u32;
	s7 =	simm.s32 $0x2;
	[dreg:$0x3] =	wrdreg s24;
	s25 =	sadd.s32 s5, s9  }
0x11: {  	vm0 =	vmmov $0xffff;
	v1 =	vshrl.u32 v2, $0x3;
	s5 =	sadd.s32 $0x2000, s0;
	s9 =	simm.s32 $0x1080;
	s24 =	simm.s32 $0x8880  }
0x12: {  	v0 =	vand.u32 $0x7, v2;
	v2 =	vor.u32 $0x8, v2;
	v1 =	vmul.u32 $0x8, v1;
	s0 =	simm.s32 $0x1;
	[dreg:$0x4] =	wrdreg s25;
	s25 =	simm.s32 $0x9080  }
.LBB2_1:
0x13: {  	s1 =	rddreg [dreg:$0x3]  }
0x14: {  	[tilespmem:s2], [sflag:$0x2] =	stream.linear.gather [hbm4b:s1+s2], $0x40, $0x38;
	[tilespmem:$0xC080] =	vst v63  }
0x15: {  	_ =	swait.ge [sflag:s7], $0x40  }
0x16: {  	[sflag:s7] =	ssyncset.done $0x0  }
0x17: {  	[sflag:s7] =	ssyncadd.s32 $0xFFFFFFC0  }
0x18: {  	v3 =	vld [tilespmem:$0x0];
	_ =	sdelay $0x4  }
0x19: {  	v4 =	vshrl.u32 v3, $0x3  }
0x1a: {  	v4 =	vmul.u32 $0x30, v4  }
0x1b: {  	v3 =	vand.u32 $0x7, v3  }
0x1c: {  	v3 =	vor.u32 v3, v4  }
0x1d: {  	v4 =	vperm.xlane v3, v0;
	_ =	sdelay $0x1  }
0x1e: {  	v4 =	vadd.s32 v1, v4;
	_ =	sdelay $0x3  }
0x1f: {  	v3 =	vperm.xlane v3, v2  }
0x20: {  	[tilespmem:s8], [sflag:$0x1] =	stream.indirect_vreg.gather [hbm4b:s3+s2], $0x80, v4, vm0, $0xb8;
	[tilespmem:$0xC080] =	vst v63  }
0x21: {  	s1 =	rddreg [dreg:$0x5];
	v3 =	vadd.s32 v1, v3  }
0x22: {  	[tilespmem:s1], [sflag:$0x1] =	stream.indirect_vreg.gather [hbm4b:s4+s2], $0x80, v4, vm0, $0xb8;
	[tilespmem:$0xC080] =	vst v63  }
0x23: {  	_ = 	snop  }
0x24: {  	[tilespmem:s9], [sflag:$0x1] =	stream.indirect_vreg.gather [hbm4b:s5+s2], $0x80, v4, vm0, $0xb8;
	[tilespmem:$0xC080] =	vst v63  }
0x25: {  	_ = 	snop  }
0x26: {  	[tilespmem:s10], [sflag:$0x1] =	stream.indirect_vreg.gather [hbm4b:s3+s2], $0x80, v3, vm0, $0xb8;
	[tilespmem:$0xC080] =	vst v63  }
0x27: {  	_ = 	snop  }
0x28: {  	[tilespmem:s11], [sflag:$0x1] =	stream.indirect_vreg.gather [hbm4b:s4+s2], $0x80, v3, vm0, $0xb8;
	[tilespmem:$0xC080] =	vst v63  }
0x29: {  	_ = 	snop  }
0x2a: {  	[tilespmem:s12], [sflag:$0x1] =	stream.indirect_vreg.gather [hbm4b:s5+s2], $0x80, v3, vm0, $0xb8;
	[tilespmem:$0xC080] =	vst v63  }
0x2b: {  	v3 =	vld [tilespmem:$0x10];
	_ =	sdelay $0x4  }
0x2c: {  	v61 =	vshrl.u32 v3, $0x3  }
0x2d: {  	v4 =	vmul.u32 $0x30, v61  }
0x2e: {  	v3 =	vand.u32 $0x7, v3  }
0x2f: {  	v3 =	vor.u32 v3, v4  }
0x30: {  	v4 =	vperm.xlane v3, v0;
	_ =	sdelay $0x1  }
0x31: {  	v4 =	vadd.s32 v1, v4;
	_ =	sdelay $0x3  }
0x32: {  	v3 =	vperm.xlane v3, v2  }
0x33: {  	[tilespmem:s13], [sflag:$0x1] =	stream.indirect_vreg.gather [hbm4b:s3+s2], $0x80, v4, vm0, $0xb8;
	[tilespmem:$0xC080] =	vst v63  }
0x34: {  	v3 =	vadd.s32 v1, v3  }
0x35: {  	[tilespmem:s14], [sflag:$0x1] =	stream.indirect_vreg.gather [hbm4b:s4+s2], $0x80, v4, vm0, $0xb8;
	[tilespmem:$0xC080] =	vst v63  }
0x36: {  	_ = 	snop  }
0x37: {  	[tilespmem:s15], [sflag:$0x1] =	stream.indirect_vreg.gather [hbm4b:s5+s2], $0x80, v4, vm0, $0xb8;
	[tilespmem:$0xC080] =	vst v63  }
0x38: {  	_ = 	snop  }
0x39: {  	[tilespmem:s16], [sflag:$0x1] =	stream.indirect_vreg.gather [hbm4b:s3+s2], $0x80, v3, vm0, $0xb8;
	[tilespmem:$0xC080] =	vst v63  }
0x3a: {  	_ = 	snop  }
0x3b: {  	[tilespmem:s17], [sflag:$0x1] =	stream.indirect_vreg.gather [hbm4b:s4+s2], $0x80, v3, vm0, $0xb8;
	[tilespmem:$0xC080] =	vst v63  }
0x3c: {  	_ = 	snop  }
0x3d: {  	[tilespmem:s18], [sflag:$0x1] =	stream.indirect_vreg.gather [hbm4b:s5+s2], $0x80, v3, vm0, $0xb8;
	[tilespmem:$0xC080] =	vst v63  }
0x3e: {  	v3 =	vld [tilespmem:$0x20];
	_ =	sdelay $0x4  }
0x3f: {  	v62 =	vshrl.u32 v3, $0x3  }
0x40: {  	v4 =	vmul.u32 $0x30, v62  }
0x41: {  	v3 =	vand.u32 $0x7, v3  }
0x42: {  	v3 =	vor.u32 v3, v4  }
0x43: {  	v4 =	vperm.xlane v3, v0;
	_ =	sdelay $0x1  }
0x44: {  	v4 =	vadd.s32 v1, v4;
	_ =	sdelay $0x3  }
0x45: {  	v3 =	vperm.xlane v3, v2  }
0x46: {  	[tilespmem:s19], [sflag:$0x1] =	stream.indirect_vreg.gather [hbm4b:s3+s2], $0x80, v4, vm0, $0xb8;
	[tilespmem:$0xC080] =	vst v63  }
0x47: {  	v3 =	vadd.s32 v1, v3  }
0x48: {  	[tilespmem:s20], [sflag:$0x1] =	stream.indirect_vreg.gather [hbm4b:s4+s2], $0x80, v4, vm0, $0xb8;
	[tilespmem:$0xC080] =	vst v63  }
0x49: {  	_ = 	snop  }
0x4a: {  	[tilespmem:s21], [sflag:$0x1] =	stream.indirect_vreg.gather [hbm4b:s5+s2], $0x80, v4, vm0, $0xb8;
	[tilespmem:$0xC080] =	vst v63  }
0x4b: {  	_ = 	snop  }
0x4c: {  	[tilespmem:s22], [sflag:$0x1] =	stream.indirect_vreg.gather [hbm4b:s3+s2], $0x80, v3, vm0, $0xb8;
	[tilespmem:$0xC080] =	vst v63  }
0x4d: {  	_ = 	snop  }
0x4e: {  	[tilespmem:s23], [sflag:$0x1] =	stream.indirect_vreg.gather [hbm4b:s4+s2], $0x80, v3, vm0, $0xb8;
	[tilespmem:$0xC080] =	vst v63  }
0x4f: {  	_ = 	snop  }
0x50: {  	[tilespmem:s24], [sflag:$0x1] =	stream.indirect_vreg.gather [hbm4b:s5+s2], $0x80, v3, vm0, $0xb8;
	[tilespmem:$0xC080] =	vst v63  }
0x51: {  	v3 =	vld [tilespmem:$0x30];
	_ =	sdelay $0x4  }
0x52: {  	v63 =	vshrl.u32 v3, $0x3  }
0x53: {  	v4 =	vmul.u32 $0x30, v63  }
0x54: {  	v3 =	vand.u32 $0x7, v3  }
0x55: {  	v3 =	vor.u32 v3, v4  }
0x56: {  	v4 =	vperm.xlane v3, v0;
	_ =	sdelay $0x1  }
0x57: {  	v4 =	vadd.s32 v1, v4;
	_ =	sdelay $0x3  }
0x58: {  	v3 =	vperm.xlane v3, v2  }
0x59: {  	[tilespmem:s25], [sflag:$0x1] =	stream.indirect_vreg.gather [hbm4b:s3+s2], $0x80, v4, vm0, $0xb8;
	[tilespmem:$0xC080] =	vst v63  }
0x5a: {  	v3 =	vadd.s32 v1, v3  }
0x5b: {  	[tilespmem:s26], [sflag:$0x1] =	stream.indirect_vreg.gather [hbm4b:s4+s2], $0x80, v4, vm0, $0xb8;
	[tilespmem:$0xC080] =	vst v63  }
0x5c: {  	_ = 	snop  }
0x5d: {  	[tilespmem:s28], [sflag:$0x1] =	stream.indirect_vreg.gather [hbm4b:s5+s2], $0x80, v4, vm0, $0xb8;
	[tilespmem:$0xC080] =	vst v63  }
0x5e: {  	_ = 	snop  }
0x5f: {  	[tilespmem:s29], [sflag:$0x1] =	stream.indirect_vreg.gather [hbm4b:s3+s2], $0x80, v3, vm0, $0xb8;
	[tilespmem:$0xC080] =	vst v63  }
0x60: {  	_ = 	snop  }
0x61: {  	[tilespmem:s30], [sflag:$0x1] =	stream.indirect_vreg.gather [hbm4b:s4+s2], $0x80, v3, vm0, $0xb8;
	[tilespmem:$0xC080] =	vst v63  }
0x62: {  	_ = 	snop  }
0x63: {  	[tilespmem:s31], [sflag:$0x1] =	stream.indirect_vreg.gather [hbm4b:s5+s2], $0x80, v3, vm0, $0xb8;
	[tilespmem:$0xC080] =	vst v63  }
0x64: {  	_ =	swait.ge [sflag:s0], $0xC000  }
0x65: {  	p0 =	sne.s32 s6, $0x1;
	[sflag:s0] =	ssyncset.done $0x0  }
.Ltmp0:
0x66: {  	s1 =	rddreg [dreg:$0x4];
	[sflag:s0] =	ssyncadd.s32 $0xFFFF4000;
	(pc) =	sbr.rel @p0 .LBB2_1-.Ltmp0, $4  }
0x67: {  	[hbm4b:s1+s2] =	stream.linear.scatter [tilespmem:s8], [sflag:$0x2], $0xC000, $0x38;
	[tilespmem:$0xC080] =	vst v63  }
0x68: {  	_ =	swait.ge [sflag:s7], $0xC000  }
0x69: {  	[sflag:s7] =	ssyncset.done $0x0  }
0x6a: {  	s6 =	sadd.s32 $0xFFFFFFFF, s6;
	[sflag:s7] =	ssyncadd.s32 $0xFFFF4000  }
0x6b: {  	_ =	sfence.sel $0x180000  }
0x6c: {  	[bflag:$0x0] =	sbarrier.arrive $0xFFFF  }
0x6d: {  	_ =	strace $0x9000004A  }
0x6e: {  	s0 =	stileid.u32;
	[bflag:$0x2] =	sbarrier.arrive $0xFFFF  }
0x6f: {  	p0 =	sne.s32 s0, $0x0;
	s0 =	rddreg [dreg:$0x2]  }
0x70: {  	s0 =	sadd.s32 @!p0 $0x100000, s0  }
0x71: {  	[sflag:s0] =	ssyncadd.tile.s32 @!p0 $0x1;
	_ =	shalt  }
.Lfunc_end2:
_tile_overlayer_lowered:
.L_overlay_start_2:
0x72: {  	(tag) =	ssettag $0x2  }
0x73: {  	s0 =	rddreg [dreg:$0x0];
	s2 =	stileid.u32  }
0x74: {  	s1 =	rddreg [dreg:$0x1];
	p0 =	sne.s32 s2, $0x0  }
0x75: {  	s3 =	rddreg [dreg:$0x2];
	[bflag:$0x3] =	sbarrier.arrive $0xFFFF;
	s2 =	simm.s32 @!p0 $0x1C02  }
0x76: {  	[timem:s3], [sflag:s2] =	dma.local @!p0 [hbm:s0], s1  }
0x77: {  	s0 =	simm.s32 @!p0 $0x2  }
0x78: {  	_ =	swait.ge @!p0 [sflag:s0], s1  }
0x79: {  	s1 =	ssub.s32 @!p0 $0x0, s1;
	[sflag:s0] =	ssyncset.done @!p0 $0x0  }
0x7a: {  	[sflag:s0] =	ssyncadd.s32 @!p0 s1  }
0x7b: {  	[bflag:$0x3] =	sbarrier.arrive $0xFFFF  }
0x7c: {  	_ =	shalt  }

</sc_bundles>
